<compile_context>
chip_gen: v7x
topology: tpu7x:2x2x1
jax: 0.10.2.dev20260603
libtpu: 0.0.44.dev20260713+nightly
codegen_flags: <defaults>
</compile_context>

<pallas_src>
import functools

import jax
import jax.numpy as jnp
from jax import lax
from jax.experimental import pallas as pl
from jax.experimental.pallas import tpu as pltpu
from jax.experimental.pallas import tpu_sc as plsc

NUM_EXPERTS = 64
HIDDEN = 1024
INTER = 512
TOKENS = 4096
TOP_K = 2

BM = 256
NPAIRS = TOKENS * TOP_K
PADDED = NPAIRS + NUM_EXPERTS * BM
GRID = PADDED // BM

NUM_WORKERS = 32
GATHER_CHUNK = 64


def _routing_metadata(top_k_index):
    e_flat = top_k_index.astype(jnp.int32).reshape(-1)
    iota = jnp.arange(NPAIRS, dtype=jnp.int32)
    e_ids = jnp.arange(NUM_EXPERTS, dtype=jnp.int32)
    e_sorted, order = lax.sort((e_flat, iota), num_keys=1, is_stable=True)
    t_sorted = order // TOP_K

    counts = jnp.sum((e_flat[:, None] == e_ids[None, :]).astype(jnp.int32), axis=0)
    tiles_per_e = (counts + BM - 1) // BM
    padded_sz = tiles_per_e * BM
    pad_start = jnp.cumsum(padded_sz) - padded_sz
    grp_start = jnp.cumsum(counts) - counts
    delta = (pad_start - grp_start).astype(jnp.int32)

    eqs = e_sorted[:, None] == e_ids[None, :]
    pos = iota + jnp.sum(jnp.where(eqs, delta[None, :], 0), axis=1).astype(jnp.int32)

    _, pos_by_pair = lax.sort((order, pos), num_keys=1)
    idx_cat = jnp.concatenate([pos_by_pair[0::2], pos_by_pair[1::2]])

    cum_tiles = jnp.cumsum(tiles_per_e).astype(jnp.int32)
    used = jnp.sum(tiles_per_e).astype(jnp.int32)
    g = jnp.arange(GRID, dtype=jnp.int32)
    tile_e = jnp.sum((cum_tiles[None, :] <= g[:, None]).astype(jnp.int32), axis=1)
    last_e = jnp.max(jnp.where(counts > 0, e_ids, 0)).astype(jnp.int32)
    tile_e = jnp.where(g < used, tile_e, last_e)
    tile_b = jnp.where(g < used, g, used - 1)
    return t_sorted, pos, idx_cat, tile_e, tile_b


def _dispatch_body(hidden_hbm, tsrt_hbm, pos_hbm, x_hbm, tidx_v, pidx_v, rows_v, sem):
    wid = lax.axis_index("s") * 2 + lax.axis_index("c")
    base = wid * (NPAIRS // NUM_WORKERS)

    def chunk_body(c, carry):
        b = base + c * GATHER_CHUNK
        pltpu.sync_copy(tsrt_hbm.at[pl.ds(b, GATHER_CHUNK)], tidx_v)
        pltpu.sync_copy(pos_hbm.at[pl.ds(b, GATHER_CHUNK)], pidx_v)
        pltpu.async_copy(hidden_hbm.at[tidx_v], rows_v, sem).wait()
        pltpu.async_copy(rows_v, x_hbm.at[pidx_v], sem).wait()
        return carry

    lax.fori_loop(0, NPAIRS // NUM_WORKERS // GATHER_CHUNK, chunk_body, 0)


def _dispatch_x(hidden_states, t_sorted, pos):
    mesh = plsc.VectorSubcoreMesh(core_axis_name="c", subcore_axis_name="s")
    k = pl.kernel(
        _dispatch_body,
        out_type=jax.ShapeDtypeStruct((PADDED, HIDDEN), jnp.float32),
        mesh=mesh,
        scratch_types=[
            pltpu.VMEM((GATHER_CHUNK,), jnp.int32),
            pltpu.VMEM((GATHER_CHUNK,), jnp.int32),
            pltpu.VMEM((GATHER_CHUNK, HIDDEN), jnp.float32),
            pltpu.SemaphoreType.DMA,
        ],
    )
    return k(hidden_states, t_sorted, pos)


def _gather_body(table_hbm, idx_hbm, out_hbm, idx_v, rows_v, sem, *, per_w):
    wid = lax.axis_index("s") * 2 + lax.axis_index("c")
    base = wid * per_w

    def chunk_body(c, carry):
        b = base + c * GATHER_CHUNK
        pltpu.sync_copy(idx_hbm.at[pl.ds(b, GATHER_CHUNK)], idx_v)
        pltpu.async_copy(table_hbm.at[idx_v], rows_v, sem).wait()
        pltpu.sync_copy(rows_v, out_hbm.at[pl.ds(b, GATHER_CHUNK)])
        return carry

    lax.fori_loop(0, per_w // GATHER_CHUNK, chunk_body, 0)


def _gather_rows(table, idx, nrows):
    width = table.shape[1]
    per_w = nrows // NUM_WORKERS
    mesh = plsc.VectorSubcoreMesh(core_axis_name="c", subcore_axis_name="s")
    k = pl.kernel(
        functools.partial(_gather_body, per_w=per_w),
        out_type=jax.ShapeDtypeStruct((nrows, width), table.dtype),
        mesh=mesh,
        scratch_types=[
            pltpu.VMEM((GATHER_CHUNK,), jnp.int32),
            pltpu.VMEM((GATHER_CHUNK, width), table.dtype),
            pltpu.SemaphoreType.DMA,
        ],
    )
    return k(table, idx)


def _mlp_body(te_ref, tb_ref, x_ref, gu_ref, dn_ref, y_ref):
    i = pl.program_id(0)

    @pl.when(tb_ref[i] == i)
    def _():
        x = x_ref[...]
        gu_w = gu_ref[0]
        gu = lax.dot_general(x, gu_w, (((1,), (1,)), ((), ())),
                             preferred_element_type=jnp.float32)
        gate = gu[:, :INTER]
        up = gu[:, INTER:]
        h = gate * jax.nn.sigmoid(gate) * up
        dn_w = dn_ref[0]
        y_ref[...] = lax.dot_general(h, dn_w, (((1,), (1,)), ((), ())),
                                     preferred_element_type=jnp.float32)


def _grouped_mlp(tile_e, tile_b, x, gate_up_proj, down_proj):
    grid_spec = pltpu.PrefetchScalarGridSpec(
        num_scalar_prefetch=2,
        grid=(GRID,),
        in_specs=[
            pl.BlockSpec((BM, HIDDEN), lambda i, te, tb: (tb[i], 0)),
            pl.BlockSpec((1, 2 * INTER, HIDDEN), lambda i, te, tb: (te[i], 0, 0)),
            pl.BlockSpec((1, HIDDEN, INTER), lambda i, te, tb: (te[i], 0, 0)),
        ],
        out_specs=pl.BlockSpec((BM, HIDDEN), lambda i, te, tb: (tb[i], 0)),
    )
    return pl.pallas_call(
        _mlp_body,
        grid_spec=grid_spec,
        out_shape=jax.ShapeDtypeStruct((PADDED, HIDDEN), jnp.float32),
    )(tile_e, tile_b, x, gate_up_proj, down_proj)


def _combine_body(y0_ref, y1_ref, w0_ref, w1_ref, o_ref):
    o_ref[...] = y0_ref[...] * w0_ref[...] + y1_ref[...] * w1_ref[...]


_COMBINE_RB = 256


def _combine(yp, w0c, w1c):
    nb = TOKENS // _COMBINE_RB
    return pl.pallas_call(
        _combine_body,
        grid=(nb,),
        in_specs=[
            pl.BlockSpec((_COMBINE_RB, HIDDEN), lambda i: (i, 0)),
            pl.BlockSpec((_COMBINE_RB, HIDDEN), lambda i: (i + nb, 0)),
            pl.BlockSpec((_COMBINE_RB, 1), lambda i: (i, 0)),
            pl.BlockSpec((_COMBINE_RB, 1), lambda i: (i, 0)),
        ],
        out_specs=pl.BlockSpec((_COMBINE_RB, HIDDEN), lambda i: (i, 0)),
        out_shape=jax.ShapeDtypeStruct((TOKENS, HIDDEN), jnp.float32),
    )(yp, yp, w0c, w1c)


def kernel(hidden_states, top_k_index, top_k_weights, gate_up_proj, down_proj):
    t_sorted, pos, idx_cat, tile_e, tile_b = _routing_metadata(top_k_index)
    x = _dispatch_x(hidden_states, t_sorted, pos)
    y = _grouped_mlp(tile_e, tile_b, x, gate_up_proj, down_proj)
    yp = _gather_rows(y, idx_cat, 2 * TOKENS)
    w0c = top_k_weights[:, 0:1]
    w1c = top_k_weights[:, 1:2]
    return _combine(yp, w0c, w1c)

# --- scband reference (transcript-rebuilt; emitter-appended) ---
"""Pipeline reference for scband-glm4-moe-naive-moe-hybrid-29231547416690 (READ-ONLY COPY).

The authoritative reference and input builder live on the scoring server;
editing this copy changes nothing except your own understanding.
"""

import jax, jax.numpy as jnp
import numpy as np

NUM_EXPERTS = 64
HIDDEN = 1024
INTER = 512
TOKENS = 4096
TOP_K = 2

def setup_inputs(seed: int = 0) -> dict:
    key = jax.random.key(seed)
    k1, k2, k3, k4, k5 = jax.random.split(key, 5)
    hidden_states = jax.random.normal(k1, (TOKENS, HIDDEN), dtype=jnp.float32)
    top_k_index = jax.random.randint(k2, (TOKENS, TOP_K), 0, NUM_EXPERTS, dtype=jnp.int64 if jax.config.jax_enable_x64 else jnp.int32)
    top_k_weights = jax.random.uniform(k3, (TOKENS, TOP_K), dtype=jnp.float32)
    gate_up_proj = jax.random.normal(k4, (NUM_EXPERTS, 2 * INTER, HIDDEN), dtype=jnp.float32) * 0.02
    down_proj = jax.random.normal(k5, (NUM_EXPERTS, HIDDEN, INTER), dtype=jnp.float32) * 0.02
    return {
        'hidden_states': hidden_states,
        'top_k_index': top_k_index,
        'top_k_weights': top_k_weights,
        'gate_up_proj': gate_up_proj,
        'down_proj': down_proj,
    }

def reference(hidden_states, top_k_index, top_k_weights, gate_up_proj, down_proj):
    # Faithful translation of Glm4MoeNaiveMoeHybrid.forward.
    # For each expert e, the torch code gathers tokens whose top_k_index hits e,
    # runs gate/up SiLU-GLU + down projection, scales by the routing weight at
    # that top-k slot, and scatter-adds back (index_add_). Since the expert
    # output for a token is identical regardless of which top-k slot selected
    # it, the per-token scale is the sum of top_k_weights over slots routed to
    # expert e (zero if not routed) -- computed densely here for static shapes.
    E = gate_up_proj.shape[0]
    I = down_proj.shape[2]
    final = jnp.zeros_like(hidden_states)
    for e in range(E):
        gu = hidden_states @ gate_up_proj[e].T          # [T, 2I]
        gate = gu[:, :I]
        up = gu[:, I:]
        h = jax.nn.silu(gate) * up                       # [T, I]
        out = h @ down_proj[e].T                         # [T, H]
        w = jnp.sum(jnp.where(top_k_index == e, top_k_weights, 0.0), axis=1)  # [T]
        final = final + out * w[:, None]
    return final

if __name__ == "__main__":
    import jax
    _d = setup_inputs()
    print(jax.jit(kernel)(*tuple(_d.values())))

</pallas_src>

<mosaic_0001>
#map = affine_map<(d0, d1) -> (0, 0)>
#map1 = affine_map<(d0, d1) -> (0)>
module attributes {stable_mosaic.version = 14 : i64} {
  func.func @_dispatch_body(%arg0: i32, %arg1: i32, %arg2: memref<4096x1024xf32, #tpu.memory_space<hbm>>, %arg3: memref<8192xi32, #tpu.memory_space<hbm>>, %arg4: memref<8192xi32, #tpu.memory_space<hbm>>, %arg5: memref<24576x1024xf32, #tpu.memory_space<hbm>>, %arg6: memref<64xi32, #tpu.memory_space<vmem>>, %arg7: memref<64xi32, #tpu.memory_space<vmem>>, %arg8: memref<64x1024xf32, #tpu.memory_space<vmem>>, %arg9: memref<!tpu.dma_semaphore, #tpu.memory_space<semaphore_mem>>) attributes {dimension_semantics = [#tpu.dimension_semantics<core_parallel>, #tpu.dimension_semantics<subcore_parallel>], iteration_bounds = array<i64: 2, 16>, scalar_prefetch = 0 : i64, scratch_operands = 4 : i64, tpu.core_type = #tpu.core_type<sc_vector_subcore>, window_params = [{transform_indices = #map}, {transform_indices = #map1}, {transform_indices = #map1}, {transform_indices = #map}]} {
    %mul3A = arith.constant 2 : i32
    %mul3A_0 = arith.muli %arg1, %mul3A : i32
    %add3A = arith.addi %mul3A_0, %arg0 : i32
    %mul3A_1 = arith.constant 256 : i32
    %mul3A_2 = arith.muli %add3A, %mul3A_1 : i32
    %scan3A = arith.constant 0 : i32
    %scan3A_3 = arith.constant 0 : i32
    %scan3A_4 = arith.constant 4 : i32
    %scan3A_5 = arith.addi %scan3A_3, %scan3A_4 : i32
    %scan3A_6 = arith.constant 1 : i32
    scf.for %scan3A_8 = %scan3A_3 to %scan3A_5 step %scan3A_6  : i32 {
      %mul3A_9 = arith.constant 64 : i32
      %mul3A_10 = arith.muli %scan3A_8, %mul3A_9 : i32
      %add3A_11 = arith.addi %mul3A_2, %mul3A_10 : i32
      "tpu.region"() ({
        %run_scoped3A = tpu.sem_alloc : memref<!tpu.dma_semaphore, #tpu.memory_space<semaphore_mem>>
        %dma_start3A_22 = tpu.memref_slice %arg3[%add3A_11] : memref<8192xi32, #tpu.memory_space<hbm>> -> memref<64xi32, #tpu.memory_space<hbm>>
        %dma_start3A_23 = tpu.memref_slice %arg3[%add3A_11] : memref<8192xi32, #tpu.memory_space<hbm>> -> memref<64xi32, #tpu.memory_space<hbm>>
        tpu.enqueue_dma source(%dma_start3A_23 : memref<64xi32, #tpu.memory_space<hbm>>) target(%arg6 : memref<64xi32, #tpu.memory_space<vmem>>) target_semaphore(%run_scoped3A : memref<!tpu.dma_semaphore, #tpu.memory_space<semaphore_mem>>)
        %dma_wait3A_24 = tpu.memref_slice %arg3[%add3A_11] : memref<8192xi32, #tpu.memory_space<hbm>> -> memref<64xi32, #tpu.memory_space<hbm>>
        %dma_wait3A_25 = tpu.memref_slice %arg3[%add3A_11] : memref<8192xi32, #tpu.memory_space<hbm>> -> memref<64xi32, #tpu.memory_space<hbm>>
        tpu.wait_dma2 semaphore(%run_scoped3A : memref<!tpu.dma_semaphore, #tpu.memory_space<semaphore_mem>>) src(%dma_wait3A_25 : memref<64xi32, #tpu.memory_space<hbm>>) dst(%arg6 : memref<64xi32, #tpu.memory_space<vmem>>)
        tpu.yield
      }) : () -> ()
      "tpu.region"() ({
        %run_scoped3A = tpu.sem_alloc : memref<!tpu.dma_semaphore, #tpu.memory_space<semaphore_mem>>
        %dma_start3A_22 = tpu.memref_slice %arg4[%add3A_11] : memref<8192xi32, #tpu.memory_space<hbm>> -> memref<64xi32, #tpu.memory_space<hbm>>
        %dma_start3A_23 = tpu.memref_slice %arg4[%add3A_11] : memref<8192xi32, #tpu.memory_space<hbm>> -> memref<64xi32, #tpu.memory_space<hbm>>
        tpu.enqueue_dma source(%dma_start3A_23 : memref<64xi32, #tpu.memory_space<hbm>>) target(%arg7 : memref<64xi32, #tpu.memory_space<vmem>>) target_semaphore(%run_scoped3A : memref<!tpu.dma_semaphore, #tpu.memory_space<semaphore_mem>>)
        %dma_wait3A_24 = tpu.memref_slice %arg4[%add3A_11] : memref<8192xi32, #tpu.memory_space<hbm>> -> memref<64xi32, #tpu.memory_space<hbm>>
        %dma_wait3A_25 = tpu.memref_slice %arg4[%add3A_11] : memref<8192xi32, #tpu.memory_space<hbm>> -> memref<64xi32, #tpu.memory_space<hbm>>
        tpu.wait_dma2 semaphore(%run_scoped3A : memref<!tpu.dma_semaphore, #tpu.memory_space<semaphore_mem>>) src(%dma_wait3A_25 : memref<64xi32, #tpu.memory_space<hbm>>) dst(%arg7 : memref<64xi32, #tpu.memory_space<vmem>>)
        tpu.yield
      }) : () -> ()
      %dma_start3A = arith.constant 0 : i32
      %dma_start3A_12 = arith.constant 0 : i32
      %dma_start3A_13 = tpu.memref_slice %arg2[%dma_start3A, %dma_start3A_12] : memref<4096x1024xf32, #tpu.memory_space<hbm>> -> memref<4096x1024xf32, #tpu.memory_space<hbm>>
      tpu.enqueue_indirect_dma source(%dma_start3A_13 : memref<4096x1024xf32, #tpu.memory_space<hbm>>) target(%arg8 : memref<64x1024xf32, #tpu.memory_space<vmem>>) offsets(%arg6 : memref<64xi32, #tpu.memory_space<vmem>>) semaphore(%arg9 : memref<!tpu.dma_semaphore, #tpu.memory_space<semaphore_mem>>)
      %dma_wait3A = arith.constant 0 : i32
      %dma_wait3A_14 = arith.constant 0 : i32
      %dma_wait3A_15 = tpu.memref_slice %arg2[%dma_wait3A, %dma_wait3A_14] : memref<4096x1024xf32, #tpu.memory_space<hbm>> -> memref<4096x1024xf32, #tpu.memory_space<hbm>>
      tpu.wait_indirect_dma semaphore(%arg9 : memref<!tpu.dma_semaphore, #tpu.memory_space<semaphore_mem>>) src(%dma_wait3A_15 : memref<4096x1024xf32, #tpu.memory_space<hbm>>) dst(%arg8 : memref<64x1024xf32, #tpu.memory_space<vmem>>)
      %dma_start3A_16 = arith.constant 0 : i32
      %dma_start3A_17 = arith.constant 0 : i32
      %dma_start3A_18 = tpu.memref_slice %arg5[%dma_start3A_16, %dma_start3A_17] : memref<24576x1024xf32, #tpu.memory_space<hbm>> -> memref<24576x1024xf32, #tpu.memory_space<hbm>>
      tpu.enqueue_indirect_dma source(%arg8 : memref<64x1024xf32, #tpu.memory_space<vmem>>) target(%dma_start3A_18 : memref<24576x1024xf32, #tpu.memory_space<hbm>>) offsets(%arg7 : memref<64xi32, #tpu.memory_space<vmem>>) semaphore(%arg9 : memref<!tpu.dma_semaphore, #tpu.memory_space<semaphore_mem>>)
      %dma_wait3A_19 = arith.constant 0 : i32
      %dma_wait3A_20 = arith.constant 0 : i32
      %dma_wait3A_21 = tpu.memref_slice %arg5[%dma_wait3A_19, %dma_wait3A_20] : memref<24576x1024xf32, #tpu.memory_space<hbm>> -> memref<24576x1024xf32, #tpu.memory_space<hbm>>
      tpu.wait_indirect_dma semaphore(%arg9 : memref<!tpu.dma_semaphore, #tpu.memory_space<semaphore_mem>>) src(%arg8 : memref<64x1024xf32, #tpu.memory_space<vmem>>) dst(%dma_wait3A_21 : memref<24576x1024xf32, #tpu.memory_space<hbm>>)
    }
    %scan3A_7 = arith.constant 4 : i32
    return
  }
}

#map = affine_map<(d0, d1) -> (0, 0)>
#map1 = affine_map<(d0, d1) -> (0)>
module attributes {stable_mosaic.version = 14 : i64} {
  func.func @_gather_body(%arg0: i32, %arg1: i32, %arg2: memref<24576x1024xf32, #tpu.memory_space<hbm>>, %arg3: memref<8192xi32, #tpu.memory_space<hbm>>, %arg4: memref<8192x1024xf32, #tpu.memory_space<hbm>>, %arg5: memref<64xi32, #tpu.memory_space<vmem>>, %arg6: memref<64x1024xf32, #tpu.memory_space<vmem>>, %arg7: memref<!tpu.dma_semaphore, #tpu.memory_space<semaphore_mem>>) attributes {dimension_semantics = [#tpu.dimension_semantics<core_parallel>, #tpu.dimension_semantics<subcore_parallel>], iteration_bounds = array<i64: 2, 16>, scalar_prefetch = 0 : i64, scratch_operands = 3 : i64, tpu.core_type = #tpu.core_type<sc_vector_subcore>, window_params = [{transform_indices = #map}, {transform_indices = #map1}, {transform_indices = #map}]} {
    %mul3A = arith.constant 2 : i32
    %mul3A_0 = arith.muli %arg1, %mul3A : i32
    %add3A = arith.addi %mul3A_0, %arg0 : i32
    %mul3A_1 = arith.constant 256 : i32
    %mul3A_2 = arith.muli %add3A, %mul3A_1 : i32
    %scan3A = arith.constant 0 : i32
    %scan3A_3 = arith.constant 0 : i32
    %scan3A_4 = arith.constant 4 : i32
    %scan3A_5 = arith.addi %scan3A_3, %scan3A_4 : i32
    %scan3A_6 = arith.constant 1 : i32
    scf.for %scan3A_8 = %scan3A_3 to %scan3A_5 step %scan3A_6  : i32 {
      %mul3A_9 = arith.constant 64 : i32
      %mul3A_10 = arith.muli %scan3A_8, %mul3A_9 : i32
      %add3A_11 = arith.addi %mul3A_2, %mul3A_10 : i32
      "tpu.region"() ({
        %run_scoped3A = tpu.sem_alloc : memref<!tpu.dma_semaphore, #tpu.memory_space<semaphore_mem>>
        %dma_start3A_16 = tpu.memref_slice %arg3[%add3A_11] : memref<8192xi32, #tpu.memory_space<hbm>> -> memref<64xi32, #tpu.memory_space<hbm>>
        %dma_start3A_17 = tpu.memref_slice %arg3[%add3A_11] : memref<8192xi32, #tpu.memory_space<hbm>> -> memref<64xi32, #tpu.memory_space<hbm>>
        tpu.enqueue_dma source(%dma_start3A_17 : memref<64xi32, #tpu.memory_space<hbm>>) target(%arg5 : memref<64xi32, #tpu.memory_space<vmem>>) target_semaphore(%run_scoped3A : memref<!tpu.dma_semaphore, #tpu.memory_space<semaphore_mem>>)
        %dma_wait3A_18 = tpu.memref_slice %arg3[%add3A_11] : memref<8192xi32, #tpu.memory_space<hbm>> -> memref<64xi32, #tpu.memory_space<hbm>>
        %dma_wait3A_19 = tpu.memref_slice %arg3[%add3A_11] : memref<8192xi32, #tpu.memory_space<hbm>> -> memref<64xi32, #tpu.memory_space<hbm>>
        tpu.wait_dma2 semaphore(%run_scoped3A : memref<!tpu.dma_semaphore, #tpu.memory_space<semaphore_mem>>) src(%dma_wait3A_19 : memref<64xi32, #tpu.memory_space<hbm>>) dst(%arg5 : memref<64xi32, #tpu.memory_space<vmem>>)
        tpu.yield
      }) : () -> ()
      %dma_start3A = arith.constant 0 : i32
      %dma_start3A_12 = arith.constant 0 : i32
      %dma_start3A_13 = tpu.memref_slice %arg2[%dma_start3A, %dma_start3A_12] : memref<24576x1024xf32, #tpu.memory_space<hbm>> -> memref<24576x1024xf32, #tpu.memory_space<hbm>>
      tpu.enqueue_indirect_dma source(%dma_start3A_13 : memref<24576x1024xf32, #tpu.memory_space<hbm>>) target(%arg6 : memref<64x1024xf32, #tpu.memory_space<vmem>>) offsets(%arg5 : memref<64xi32, #tpu.memory_space<vmem>>) semaphore(%arg7 : memref<!tpu.dma_semaphore, #tpu.memory_space<semaphore_mem>>)
      %dma_wait3A = arith.constant 0 : i32
      %dma_wait3A_14 = arith.constant 0 : i32
      %dma_wait3A_15 = tpu.memref_slice %arg2[%dma_wait3A, %dma_wait3A_14] : memref<24576x1024xf32, #tpu.memory_space<hbm>> -> memref<24576x1024xf32, #tpu.memory_space<hbm>>
      tpu.wait_indirect_dma semaphore(%arg7 : memref<!tpu.dma_semaphore, #tpu.memory_space<semaphore_mem>>) src(%dma_wait3A_15 : memref<24576x1024xf32, #tpu.memory_space<hbm>>) dst(%arg6 : memref<64x1024xf32, #tpu.memory_space<vmem>>)
      "tpu.region"() ({
        %run_scoped3A = tpu.sem_alloc : memref<!tpu.dma_semaphore, #tpu.memory_space<semaphore_mem>>
        %dma_start3A_16 = arith.constant 0 : i32
        %dma_start3A_17 = tpu.memref_slice %arg4[%add3A_11, %dma_start3A_16] : memref<8192x1024xf32, #tpu.memory_space<hbm>> -> memref<64x1024xf32, #tpu.memory_space<hbm>>
        %dma_start3A_18 = arith.constant 0 : i32
        %dma_start3A_19 = tpu.memref_slice %arg4[%add3A_11, %dma_start3A_18] : memref<8192x1024xf32, #tpu.memory_space<hbm>> -> memref<64x1024xf32, #tpu.memory_space<hbm>>
        tpu.enqueue_dma source(%arg6 : memref<64x1024xf32, #tpu.memory_space<vmem>>) target(%dma_start3A_19 : memref<64x1024xf32, #tpu.memory_space<hbm>>) target_semaphore(%run_scoped3A : memref<!tpu.dma_semaphore, #tpu.memory_space<semaphore_mem>>)
        %dma_wait3A_20 = arith.constant 0 : i32
        %dma_wait3A_21 = tpu.memref_slice %arg4[%add3A_11, %dma_wait3A_20] : memref<8192x1024xf32, #tpu.memory_space<hbm>> -> memref<64x1024xf32, #tpu.memory_space<hbm>>
        %dma_wait3A_22 = arith.constant 0 : i32
        %dma_wait3A_23 = tpu.memref_slice %arg4[%add3A_11, %dma_wait3A_22] : memref<8192x1024xf32, #tpu.memory_space<hbm>> -> memref<64x1024xf32, #tpu.memory_space<hbm>>
        tpu.wait_dma2 semaphore(%run_scoped3A : memref<!tpu.dma_semaphore, #tpu.memory_space<semaphore_mem>>) src(%arg6 : memref<64x1024xf32, #tpu.memory_space<vmem>>) dst(%dma_wait3A_23 : memref<64x1024xf32, #tpu.memory_space<hbm>>)
        tpu.yield
      }) : () -> ()
    }
    %scan3A_7 = arith.constant 4 : i32
    return
  }
}

module attributes {stable_mosaic.version = 14 : i64} {
  func.func @_mlp_body(%arg0: i32, %arg1: memref<96xi32, #tpu.memory_space<smem>>, %arg2: memref<96xi32, #tpu.memory_space<smem>>, %arg3: memref<256x1024xf32, #tpu.memory_space<vmem>>, %arg4: memref<1x1024x1024xf32, #tpu.memory_space<vmem>>, %arg5: memref<1x1024x512xf32, #tpu.memory_space<vmem>>, %arg6: memref<256x1024xf32, #tpu.memory_space<vmem>>) attributes {dimension_semantics = [#tpu.dimension_semantics<arbitrary>], iteration_bounds = array<i64: 96>, scalar_prefetch = 2 : i64, scratch_operands = 0 : i64, tpu.core_type = #tpu.core_type<tc>, window_params = [{transform_indices = @transform_0, window_bounds = array<i64: 256, 1024>}, {transform_indices = @transform_1, window_bounds = array<i64: 1, 1024, 1024>}, {transform_indices = @transform_2, window_bounds = array<i64: 1, 1024, 512>}, {transform_indices = @transform_3, window_bounds = array<i64: 256, 1024>}]} {
    %get3A = arith.index_cast %arg0 : i32 to index
    %get3A_0 = memref.load %arg2[%get3A] : memref<96xi32, #tpu.memory_space<smem>>
    %eq3A = arith.cmpi eq, %get3A_0, %arg0 : i32
    %convert_element_type3A = arith.extui %eq3A : i1 to i32
    %cond3A = arith.constant 0 : i32
    %cond3A_1 = arith.cmpi ne, %convert_element_type3A, %cond3A : i32
    scf.if %cond3A_1 {
      %get3A_2 = arith.constant 0 : index
      %get3A_3 = arith.constant 0 : index
      %get3A_4 = vector.load %arg3[%get3A_2, %get3A_3] : memref<256x1024xf32, #tpu.memory_space<vmem>>, vector<256x1024xf32>
      %get3A_5 = arith.constant 0 : index
      %get3A_6 = arith.constant 0 : index
      %get3A_7 = arith.constant 0 : index
      %get3A_8 = vector.load %arg4[%get3A_5, %get3A_6, %get3A_7] : memref<1x1024x1024xf32, #tpu.memory_space<vmem>>, vector<1x1024x1024xf32>
      %get3A_9 = vector.shape_cast %get3A_8 : vector<1x1024x1024xf32> to vector<1024x1024xf32>
      %dot_general3A = arith.constant dense<0.000000e+00> : vector<256x1024xf32>
      %dot_general3A_10 = tpu.matmul %get3A_4, %get3A_9, %dot_general3A {dimension_numbers = #tpu.dot_dimension_numbers<[1], [1], [0], [0], [0, 0, 1, 0], [], []>, transpose_lhs_hint = false} : vector<256x1024xf32>, vector<1024x1024xf32>, vector<256x1024xf32> -> vector<256x1024xf32>
      %slice3A = vector.extract_strided_slice %dot_general3A_10 {offsets = [0, 0], sizes = [256, 512], strides = [1, 1]} : vector<256x1024xf32> to vector<256x512xf32>
      %slice3A_11 = vector.extract_strided_slice %dot_general3A_10 {offsets = [0, 512], sizes = [256, 512], strides = [1, 1]} : vector<256x1024xf32> to vector<256x512xf32>
      %logistic3A = arith.negf %slice3A : vector<256x512xf32>
      %logistic3A_12 = math.exp %logistic3A : vector<256x512xf32>
      %logistic3A_13 = arith.constant 1.000000e+00 : f32
      %logistic3A_14 = vector.broadcast %logistic3A_13 : f32 to vector<256x512xf32>
      %logistic3A_15 = arith.addf %logistic3A_14, %logistic3A_12 : vector<256x512xf32>
      %logistic3A_16 = arith.divf %logistic3A_14, %logistic3A_15 : vector<256x512xf32>
      %mul3A = arith.mulf %slice3A, %logistic3A_16 : vector<256x512xf32>
      %mul3A_17 = arith.mulf %mul3A, %slice3A_11 : vector<256x512xf32>
      %get3A_18 = arith.constant 0 : index
      %get3A_19 = arith.constant 0 : index
      %get3A_20 = arith.constant 0 : index
      %get3A_21 = vector.load %arg5[%get3A_18, %get3A_19, %get3A_20] : memref<1x1024x512xf32, #tpu.memory_space<vmem>>, vector<1x1024x512xf32>
      %get3A_22 = vector.shape_cast %get3A_21 : vector<1x1024x512xf32> to vector<1024x512xf32>
      %dot_general3A_23 = arith.constant dense<0.000000e+00> : vector<256x1024xf32>
      %dot_general3A_24 = tpu.matmul %mul3A_17, %get3A_22, %dot_general3A_23 {dimension_numbers = #tpu.dot_dimension_numbers<[1], [1], [0], [0], [0, 0, 1, 0], [], []>, transpose_lhs_hint = false} : vector<256x512xf32>, vector<1024x512xf32>, vector<256x1024xf32> -> vector<256x1024xf32>
      %swap3A = arith.constant 0 : index
      %swap3A_25 = arith.constant 0 : index
      %swap3A_26 = vector.load %arg6[%swap3A, %swap3A_25] : memref<256x1024xf32, #tpu.memory_space<vmem>>, vector<256x1024xf32>
      tpu.vector_store %arg6[%swap3A, %swap3A_25], %dot_general3A_24 {strides = array<i32>} : memref<256x1024xf32, #tpu.memory_space<vmem>>, vector<256x1024xf32>,
    } else {
    }
    return
  }
  func.func @transform_0(%arg0: i32, %arg1: memref<96xi32, #tpu.memory_space<smem>>, %arg2: memref<96xi32, #tpu.memory_space<smem>>) -> (i32, i32) {
    %get3A = arith.index_cast %arg0 : i32 to index
    %get3A_0 = memref.load %arg2[%get3A] : memref<96xi32, #tpu.memory_space<smem>>
    %c0_i32 = arith.constant 0 : i32
    %c0_i32_1 = arith.constant 0 : i32
    return %get3A_0, %c0_i32 : i32, i32
  }
  func.func @transform_1(%arg0: i32, %arg1: memref<96xi32, #tpu.memory_space<smem>>, %arg2: memref<96xi32, #tpu.memory_space<smem>>) -> (i32, i32, i32) {
    %get3A = arith.index_cast %arg0 : i32 to index
    %get3A_0 = memref.load %arg1[%get3A] : memref<96xi32, #tpu.memory_space<smem>>
    %c0_i32 = arith.constant 0 : i32
    %c0_i32_1 = arith.constant 0 : i32
    %c0_i32_2 = arith.constant 0 : i32
    return %get3A_0, %c0_i32, %c0_i32_1 : i32, i32, i32
  }
  func.func @transform_2(%arg0: i32, %arg1: memref<96xi32, #tpu.memory_space<smem>>, %arg2: memref<96xi32, #tpu.memory_space<smem>>) -> (i32, i32, i32) {
    %get3A = arith.index_cast %arg0 : i32 to index
    %get3A_0 = memref.load %arg1[%get3A] : memref<96xi32, #tpu.memory_space<smem>>
    %c0_i32 = arith.constant 0 : i32
    %c0_i32_1 = arith.constant 0 : i32
    %c0_i32_2 = arith.constant 0 : i32
    return %get3A_0, %c0_i32, %c0_i32_1 : i32, i32, i32
  }
  func.func @transform_3(%arg0: i32, %arg1: memref<96xi32, #tpu.memory_space<smem>>, %arg2: memref<96xi32, #tpu.memory_space<smem>>) -> (i32, i32) {
    %get3A = arith.index_cast %arg0 : i32 to index
    %get3A_0 = memref.load %arg2[%get3A] : memref<96xi32, #tpu.memory_space<smem>>
    %c0_i32 = arith.constant 0 : i32
    %c0_i32_1 = arith.constant 0 : i32
    return %get3A_0, %c0_i32 : i32, i32
  }
}

module attributes {stable_mosaic.version = 14 : i64} {
  func.func @_combine_body(%arg0: i32, %arg1: memref<256x1024xf32, #tpu.memory_space<vmem>>, %arg2: memref<256x1024xf32, #tpu.memory_space<vmem>>, %arg3: memref<256x1xf32, #tpu.memory_space<vmem>>, %arg4: memref<256x1xf32, #tpu.memory_space<vmem>>, %arg5: memref<256x1024xf32, #tpu.memory_space<vmem>>) attributes {dimension_semantics = [#tpu.dimension_semantics<arbitrary>], iteration_bounds = array<i64: 16>, scalar_prefetch = 0 : i64, scratch_operands = 0 : i64, tpu.core_type = #tpu.core_type<tc>, window_params = [{transform_indices = @transform_0, window_bounds = array<i64: 256, 1024>}, {transform_indices = @transform_1, window_bounds = array<i64: 256, 1024>}, {transform_indices = @transform_2, window_bounds = array<i64: 256, 1>}, {transform_indices = @transform_3, window_bounds = array<i64: 256, 1>}, {transform_indices = @transform_4, window_bounds = array<i64: 256, 1024>}]} {
    %get3A = arith.constant 0 : index
    %get3A_0 = arith.constant 0 : index
    %get3A_1 = vector.load %arg1[%get3A, %get3A_0] : memref<256x1024xf32, #tpu.memory_space<vmem>>, vector<256x1024xf32>
    %get3A_2 = arith.constant 0 : index
    %get3A_3 = arith.constant 0 : index
    %get3A_4 = vector.load %arg3[%get3A_2, %get3A_3] : memref<256x1xf32, #tpu.memory_space<vmem>>, vector<256x1xf32>
    %mul3A = vector.broadcast %get3A_4 : vector<256x1xf32> to vector<256x1024xf32>
    %mul3A_5 = arith.mulf %get3A_1, %mul3A : vector<256x1024xf32>
    %get3A_6 = arith.constant 0 : index
    %get3A_7 = arith.constant 0 : index
    %get3A_8 = vector.load %arg2[%get3A_6, %get3A_7] : memref<256x1024xf32, #tpu.memory_space<vmem>>, vector<256x1024xf32>
    %get3A_9 = arith.constant 0 : index
    %get3A_10 = arith.constant 0 : index
    %get3A_11 = vector.load %arg4[%get3A_9, %get3A_10] : memref<256x1xf32, #tpu.memory_space<vmem>>, vector<256x1xf32>
    %mul3A_12 = vector.broadcast %get3A_11 : vector<256x1xf32> to vector<256x1024xf32>
    %mul3A_13 = arith.mulf %get3A_8, %mul3A_12 : vector<256x1024xf32>
    %add3A = arith.addf %mul3A_5, %mul3A_13 : vector<256x1024xf32>
    %swap3A = arith.constant 0 : index
    %swap3A_14 = arith.constant 0 : index
    %swap3A_15 = vector.load %arg5[%swap3A, %swap3A_14] : memref<256x1024xf32, #tpu.memory_space<vmem>>, vector<256x1024xf32>
    tpu.vector_store %arg5[%swap3A, %swap3A_14], %add3A {strides = array<i32>} : memref<256x1024xf32, #tpu.memory_space<vmem>>, vector<256x1024xf32>,
    return
  }
  func.func @transform_0(%arg0: i32) -> (i32, i32) {
    %c0_i32 = arith.constant 0 : i32
    %c0_i32_0 = arith.constant 0 : i32
    return %arg0, %c0_i32 : i32, i32
  }
  func.func @transform_1(%arg0: i32) -> (i32, i32) {
    %add3A = arith.constant 16 : i32
    %add3A_0 = arith.addi %arg0, %add3A : i32
    %c0_i32 = arith.constant 0 : i32
    %c0_i32_1 = arith.constant 0 : i32
    return %add3A_0, %c0_i32 : i32, i32
  }
  func.func @transform_2(%arg0: i32) -> (i32, i32) {
    %c0_i32 = arith.constant 0 : i32
    %c0_i32_0 = arith.constant 0 : i32
    return %arg0, %c0_i32 : i32, i32
  }
  func.func @transform_3(%arg0: i32) -> (i32, i32) {
    %c0_i32 = arith.constant 0 : i32
    %c0_i32_0 = arith.constant 0 : i32
    return %arg0, %c0_i32 : i32, i32
  }
  func.func @transform_4(%arg0: i32) -> (i32, i32) {
    %c0_i32 = arith.constant 0 : i32
    %c0_i32_0 = arith.constant 0 : i32
    return %arg0, %c0_i32 : i32, i32
  }
}

</mosaic_0001>

<sc_bundles>
// kernel: kernel.6.cloned.1.call-start
scs
__scs_entry_jumppad:
0x0: {  	(pc) =	sbr.rel $0x88, $3  }
0x1: {  	(tag) =	ssettag $0x0;
	lr =	simm.s32 $0x1  }
0x2: {  	[smem:$0x3F9C] =	sst lr;
	_ =	strace $0xD0000000  }
0x3: {  	_ = 	snop  }
0x4: {  	_ = 	snop  }
0x5: {  	_ = 	snop  }
0x6: {  	_ = 	snop  }
0x7: {  	_ = 	snop  }
__scs_overlays_trampoline_lowered:
0x8: {  	[smem:$0x3FAB] =	sst s0  }
0x9: {  	[smem:$0x3FAC] =	sst s1  }
0xa: {  	[smem:$0x3FAD] =	sst s2  }
0xb: {  	[smem:$0x3FAE] =	sst s3  }
0xc: {  	[smem:$0x3FAF] =	sst s4  }
0xd: {  	[smem:$0x3FB0] =	sst s5  }
0xe: {  	[smem:$0x3FB1] =	sst s6  }
0xf: {  	[smem:$0x3FB2] =	sst s7  }
0x10: {  	[smem:$0x3FB3] =	sst s8  }
0x11: {  	[smem:$0x3FB4] =	sst s9;
	s0 =	simm.s32 @!p0 $0x0  }
0x12: {  	s1 =	sld [smem:$0x3F9A];
	s0 =	simm.s32 @p0 $0x1  }
0x13: {  	[smem:$0x3FB5] =	sst s0;
	s0 =	simm.s32 @!p1 $0x0  }
0x14: {  	s2 =	sld [smem:$0x3F99];
	s0 =	simm.s32 @p1 $0x1  }
0x15: {  	[smem:$0x3FB6] =	sst s0;
	s0 =	simm.s32 @!p2 $0x0  }
0x16: {  	s3 =	sld [smem:$0x3FDB];
	s0 =	simm.s32 @p2 $0x1  }
0x17: {  	s4 =	simm.s32 $0x1BF5;
	[smem:$0x3FB8] =	sst s0  }
0x18: {  	s0 =	sld [smem:$0x3F9B];
	_ =	swait.ge [sflag:s4], $0x0  }
0x19: {  	s7 =	sld [smem:$0x3F9C]  }
0x1a: {  	s8 =	sadd.s32 $0xFFFFE003, lr  }
0x1b: {  	s9 =	sadd.s32 $0xFFFFFEF7, lr;
	s5 =	simm.s32 $0xFFFFFFFF;
	p2 =	slt.u32 s8, $0xFFFFF086  }
0x1c: {  	p1 =	slt.u32 s9, $0xF7A;
	s5 =	simm.s32 @!p2 $0x0  }
0x1d: {  	s5 =	simm.s32 @p1 $0x1;
	p0 =	seq.s32 s7, s2  }
0x1e: {  	s7 =	smul.u32 @!p0 $0xF7A, s2;
	p2 =	seq.s32 @!p0 s5, $0x0  }
0x1f: {  	s9 =	smul.u32 $0xF7A, s1;
	s8 =	simm.s32 @!p0 $0x1BF5;
	p2 =	por !p2, p0  }
0x20: {  	[sflag:s8] =	ssyncset.s32 @!p0 $0xFFFFF086;
	s6 =	sadd.s32 @!p0 s3, s7;
	s7 =	simm.s32 @!p0 $0x108  }
0x21: {  	s3 =	sadd.s32 s3, s9;
	s6 =	sadd.s32 @!p0 $0x88, s6;
	s7 =	simm.s32 @p2 $0x1082  }
0x22: {  	[simem:s7], [sflag:s8] =	dma.local @!p0 [hbm:s6], $0xF7A  }
0x23: {  	s9 =	sor.u32 $0xD0000000, s2;
	s6 =	simm.s32 $0x108;
	_ =	swait.ge @!p0 [sflag:s8], $0x0  }
0x24: {  	s3 =	sadd.s32 $0x88, s3;
	s6 =	simm.s32 @!p1 $0x1082;
	[sflag:s4] =	ssyncset.s32 $0xFFFFF086  }
0x25: {  	[simem:s6], [sflag:s4] =	dma.local [hbm:s3], $0xF7A  }
0x26: {  	[smem:$0x3F9C] =	sst s1;
	(tag) =	ssettag s2;
	_ =	strace s9  }
0x27: {  	s1 =	sld [smem:$0x3FAC]  }
0x28: {  	s2 =	sld [smem:$0x3FAD]  }
0x29: {  	s4 =	sld [smem:$0x3FAF]  }
0x2a: {  	p0 =	seq.s32 s5, $0x0;
	s5 =	sld [smem:$0x3FB0]  }
0x2b: {  	s6 =	sld [smem:$0x3FB1]  }
0x2c: {  	s7 =	sld [smem:$0x3FB2]  }
0x2d: {  	s3 =	simm.s32 $0x108;
	s8 =	sld [smem:$0x3FB3]  }
0x2e: {  	s3 =	simm.s32 @!p0 $0x1082;
	s9 =	sld [smem:$0x3FB4]  }
0x2f: {  	lr =	sadd.s32 s0, s3;
	s0 =	sld [smem:$0x3FAB]  }
0x30: {  	s3 =	sld [smem:$0x3FAE]  }
0x31: {  	[smem:$0x3FB7] =	sst s10  }
0x32: {  	s10 =	sld [smem:$0x3FB5];
	_ =	sdelay $0x3  }
0x33: {  	p0 =	seq.s32 s10, $0x1;
	s10 =	sld [smem:$0x3FB7];
	_ =	sdelay $0x3  }
0x34: {  	[smem:$0x3FB7] =	sst s10  }
0x35: {  	s10 =	sld [smem:$0x3FB6];
	_ =	sdelay $0x3  }
0x36: {  	p1 =	seq.s32 s10, $0x1;
	s10 =	sld [smem:$0x3FB7];
	_ =	sdelay $0x3  }
0x37: {  	[smem:$0x3FB7] =	sst s10  }
0x38: {  	s10 =	sld [smem:$0x3FB8]  }
0x39: {  	_ = 	snop;
	(pc) =	sbr.ind lr, $3  }
0x3a: {  	_ = 	snop  }
0x3b: {  	_ = 	snop  }
0x3c: {  	p2 =	seq.s32 s10, $0x1;
	s10 =	sld [smem:$0x3FB7]  }
0x3d: {  	_ =	shalt  }
0x3e: {  	_ =	shalt  }
0x3f: {  	_ =	shalt  }
0x40: {  	_ =	shalt  }
0x41: {  	_ =	shalt  }
0x42: {  	_ =	shalt  }
0x43: {  	_ =	shalt  }
0x44: {  	_ =	shalt  }
0x45: {  	_ =	shalt  }
0x46: {  	_ =	shalt  }
0x47: {  	_ =	shalt  }
0x48: {  	_ =	shalt  }
0x49: {  	_ =	shalt  }
0x4a: {  	_ =	shalt  }
0x4b: {  	_ =	shalt  }
0x4c: {  	_ =	shalt  }
0x4d: {  	_ =	shalt  }
0x4e: {  	_ =	shalt  }
0x4f: {  	_ =	shalt  }
0x50: {  	_ =	shalt  }
0x51: {  	_ =	shalt  }
0x52: {  	_ =	shalt  }
0x53: {  	_ =	shalt  }
0x54: {  	_ =	shalt  }
0x55: {  	_ =	shalt  }
0x56: {  	_ =	shalt  }
0x57: {  	_ =	shalt  }
0x58: {  	_ =	shalt  }
0x59: {  	_ =	shalt  }
0x5a: {  	_ =	shalt  }
0x5b: {  	_ =	shalt  }
0x5c: {  	_ =	shalt  }
0x5d: {  	_ =	shalt  }
0x5e: {  	_ =	shalt  }
0x5f: {  	_ =	shalt  }
0x60: {  	_ =	shalt  }
0x61: {  	_ =	shalt  }
0x62: {  	_ =	shalt  }
0x63: {  	_ =	shalt  }
0x64: {  	_ =	shalt  }
0x65: {  	_ =	shalt  }
0x66: {  	_ =	shalt  }
0x67: {  	_ =	shalt  }
0x68: {  	_ =	shalt  }
0x69: {  	_ =	shalt  }
0x6a: {  	_ =	shalt  }
0x6b: {  	_ =	shalt  }
0x6c: {  	_ =	shalt  }
0x6d: {  	_ =	shalt  }
0x6e: {  	_ =	shalt  }
0x6f: {  	_ =	shalt  }
0x70: {  	_ =	shalt  }
0x71: {  	_ =	shalt  }
0x72: {  	_ =	shalt  }
0x73: {  	_ =	shalt  }
0x74: {  	_ =	shalt  }
0x75: {  	_ =	shalt  }
0x76: {  	_ =	shalt  }
0x77: {  	_ =	shalt  }
0x78: {  	_ =	shalt  }
0x79: {  	_ =	shalt  }
0x7a: {  	_ =	shalt  }
0x7b: {  	_ =	shalt  }
0x7c: {  	_ =	shalt  }
0x7d: {  	_ =	shalt  }
0x7e: {  	_ =	shalt  }
0x7f: {  	_ =	shalt  }
0x80: {  	_ =	shalt  }
0x81: {  	_ =	shalt  }
0x82: {  	_ =	shalt  }
0x83: {  	_ =	shalt  }
0x84: {  	_ =	shalt  }
0x85: {  	_ =	shalt  }
0x86: {  	_ =	shalt  }
0x87: {  	_ =	shalt  }
.Lfunc_end0:
.L_simem_size_0:
called_computation_lowered:
.L_overlay_start_0:
0x88: {  	s2 =	sld [smem:$0x3FD9]  }
0x89: {  	s3 =	sld [smem:$0x3FFE];
	_ =	sdelay $0x1  }
0x8a: {  	s1 =	srdreg.scid  }
0x8b: {  	s0 =	sand.u32 $0x1, s1  }
0x8c: {  	s17 =	sshll.u32 s0, $0xA;
	s2 =	sadd.s32 s3, s2  }
0x8d: {  	s2 =	sadd.s32 s2, s17  }
0x8e: {  	[smem:$0x3FC3] =	sst s2  }
0x8f: {  	_ = 	snop  }
0x90: {  	s2 =	sld [smem:$0x3FC9]  }
0x91: {  	s18 =	sld [smem:$0x3FD0];
	(tm) =	ssettm $0x1  }
0x92: {  	s4 =	sld [smem:$0x3FFB];
	_ =	sdelay $0x3  }
0x93: {  	_ =	strace s4  }
0x94: {  	s4 =	sld [smem:$0x3FFC];
	_ =	sdelay $0x3  }
0x95: {  	_ =	strace s4  }
0x96: {  	s4 =	sld [smem:$0x3FFD];
	_ =	sdelay $0x3  }
0x97: {  	_ =	strace s4  }
0x98: {  	_ =	strace $0x8FFFFFFF  }
0x99: {  	s19 =	sld [smem:$0x3FDB];
	_ =	sdelay $0x1  }
0x9a: {  	s5 =	simm.s32 $_scs_section_size  }
0x9b: {  	s6 =	simm.s32 $_size__tile_overlayer_lowered;
	s7 =	simm.s32 $_tile_overlayer_lowered  }
0x9c: {  	s22 =	simm.s32 $0x1BFF;
	s21 =	sshll.u32 s7, $0x1;
	s4 =	sadd.s32 s5, s19  }
0x9d: {  	s8 =	simm.s32 $0x0;
	s20 =	sshll.u32 s6, $0x1;
	s6 =	sadd.s32 s21, s4  }
0x9e: {  	[timem:s8], [sflag:s22] =	dma.local [hbm:s6], s20  }
0x9f: {  	_ =	swait.ge [sflag:s22], s20  }
0xa0: {  	s5 =	ssub.s32 $0x0, s20;
	[sflag:s22] =	ssyncset.done $0x0  }
0xa1: {  	[sflag:s22] =	ssyncadd.s32 s5;
	_ =	sdelay $0x1  }
0xa2: {  	s23 =	simm.s32 $0x1B8B  }
0xa3: {  	_ =	swait.ge [sflag:s23], $0x1  }
0xa4: {  	[sflag:s23] =	ssyncset.done $0x0  }
0xa5: {  	s25 =	simm.s32 $0x1B8E;
	s24 =	sld [smem:$0x3FFE];
	[sflag:s23] =	ssyncadd.s32 $0xFFFFFFFF  }
0xa6: {  	s26 =	simm.s32 $execute0_lowered;
	[smem:$0x3FD2] =	sst s25  }
0xa7: {  	s6 =	sshll.u32 s26, $0x1;
	_ =	strace $0x80000046;
	[dreg:$0x1] =	wrdreg $0xFFFFFFFF  }
0xa8: {  	s28 =	simm.s32 $_size_execute0_lowered;
	s4 =	sadd.s32 s4, s6;
	[dreg:$0x0] =	wrdreg $0x0  }
0xa9: {  	s6 =	sshll.u32 s28, $0x1;
	[dreg:$0x2] =	wrdreg s4  }
0xaa: {  	[dreg:$0x3] =	wrdreg s6  }
0xab: {  	[dreg:$0x4] =	wrdreg $0xC0  }
0xac: {  	_ =	task [dreg:s8], $0x5FFFF  }
0xad: {  	[dreg:$0x1] =	wrdreg $0xFFFFFFFF  }
0xae: {  	[dreg:$0x0] =	wrdreg $0x60  }
0xaf: {  	[dreg:$0x2] =	wrdreg s2  }
0xb0: {  	[dreg:$0x3] =	wrdreg s18  }
0xb1: {  	[dreg:$0x4] =	wrdreg s24  }
0xb2: {  	[dreg:$0x5] =	wrdreg $0x9  }
0xb3: {  	_ =	task.clear_ibuf [dreg:s8], $0x6FFFF;
	_ =	strace $0x90000046  }
0xb4: {  	s29 =	simm.s32 $0x9;
	_ =	strace $0x80000048  }
0xb5: {  	_ =	swait.ge [sflag:s29], $0x1  }
0xb6: {  	[sflag:s29] =	ssyncadd.s32 $0xFFFFFFFF  }
0xb7: {  	_ =	strace $0x90000048  }
0xb8: {  	_ =	sfence  }
0xb9: {  	s30 =	sld [smem:$0x0];
	_ =	sdelay $0x2  }
0xba: {  	s31 =	sshll.u32 s1, $0xD;
	s1 =	sshrl.u32 s1, $0x2  }
0xbb: {  	s3 =	sand.u32 $0x4000, s31;
	s1 =	sadd.s32 s1, s30  }
0xbc: {  	s0 =	sor.u32 s3, s0;
	s1 =	sshll.u32 s1, $0x11  }
0xbd: {  	s0 =	sor.u32 s1, s0  }
0xbe: {  	s0 =	sadd.s32 $0x8F2B, s0  }
0xbf: {  	[sflag:s0] =	ssyncadd.remote.s32 $0x1  }
0xc0: {  	_ =	sfence.sel $0xFFFF  }
0xc1: {  	[dreg:$0x0] =	wrdreg $0xFFFFFFFF;
	(pc) =	sbr.abs _section_cstart, $3  }
0xc2: {  	[dreg:$0x1] =	wrdreg $0xFFFFFFFF  }
0xc3: {  	_ =	task.clear_ibuf [dreg:s8], $0x2FFFF;
	_ =	strace $0x9FFFFFFF  }
0xc4: {  	(tm) =	ssettm $0x7FFFFFFF  }
0xc5: {  	_ =	shalt  }
tec
execute0_lowered:
.L_overlay_start_1:
0x0: {  	(tag) =	ssettag $0x1  }
0x1: {  	s1 =	rddreg [dreg:$0x0]  }
0x2: {  	s0 =	rddreg [dreg:$0x1]  }
0x3: {  	s2 =	rddreg [dreg:$0x2];
	s4 =	srdreg.scid;
	s3 =	simm.s32 $0x0  }
0x4: {  	s29 =	stileid.u32;
	s31 =	simm.s32 $0x80;
	s21 =	simm.s32 $0xE900  }
0x5: {  	s22 =	simm.s32 $0xF100;
	s23 =	simm.s32 $0xF900;
	s24 =	simm.s32 $0x1  }
0x6: {  	s5 =	sand.u32 $0x1, s4;
	[smem:$0x7FF] =	sst s3;
	s10 =	sshll.u32 s29, $0x6  }
0x7: {  	s4 =	sadd.s32 $0x600, s2;
	s8 =	sadd.s32 $0x700, s2;
	s6 =	ssub.s32 $0x2, s5  }
0x8: {  	_ =	strace $0x80000047;
	s9 =	sadd.s32 s10, s2;
	s12 =	sshll.u32 s5, $0x5  }
0x9: {  	s5 =	sadd.s32 $0x100, s1;
	s0 =	sadd.s32 s10, s0;
	s10 =	sadd.s32 $0x900, s2  }
0xa: {  	[dreg:$0x6] =	wrdreg s31;
	s7 =	sshrl.u32 s6, $0x1;
	s13 =	sadd.s32 s12, s9  }
0xb: {  	s9 =	sadd.s32 $0x800, s2;
	s0 =	sadd.s32 s12, s0;
	s12 =	simm.s32 $0x2  }
0xc: {  	v2 =	vlaneseq.u32;
	s11 =	ssub.s32 s6, s7;
	s13 =	sadd.s32 $0x200, s13;
	[dreg:$0x5] =	wrdreg s0  }
0xd: {  	vm0 =	vmmov $0xffff;
	v1 =	vshrl.u32 v2, $0x3;
	s6 =	sadd.s32 $0x200, s1;
	[dreg:$0x4] =	wrdreg s13;
	s30 =	smax.u32 s11, $0x1  }
0xe: {  	v0 =	vand.u32 $0x7, v2;
	v2 =	vor.u32 $0x8, v2;
	v1 =	vmul.u32 $0x8, v1;
	s7 =	sadd.s32 $0x300, s1;
	s0 =	simm.s32 $0x0;
	[dreg:$0x7] =	wrdreg s30  }
.LBB2_1:
0xf: {  	[dreg:$0x8] =	wrdreg s0;
	s25 =	simm.s32 $0x0  }
.LBB2_2:
0x10: {  	s26 =	rddreg [dreg:$0x5]  }
0x11: {  	s26 =	sadd.s32 s25, s26  }
0x12: {  	[tilespmem:s3], [sflag:$0x2] =	stream.linear.gather [hbm4b:s26+s3], $0x40, $0x38;
	[tilespmem:$0x10100] =	vst v63  }
0x13: {  	_ =	swait.ge [sflag:s12], $0x40  }
0x14: {  	s26 =	rddreg [dreg:$0x4];
	[sflag:s12] =	ssyncset.done $0x0  }
0x15: {  	s28 =	rddreg [dreg:$0x6];
	[sflag:s12] =	ssyncadd.s32 $0xFFFFFFC0;
	s26 =	sadd.s32 s25, s26  }
0x16: {  	[tilespmem:s28], [sflag:$0x2] =	stream.linear.gather [hbm4b:s26+s3], $0x40, $0x38;
	[tilespmem:$0x10100] =	vst v63  }
0x17: {  	_ =	swait.ge [sflag:s12], $0x40  }
0x18: {  	[sflag:s12] =	ssyncset.done $0x0  }
0x19: {  	[sflag:s12] =	ssyncadd.s32 $0xFFFFFFC0  }
0x1a: {  	v3 =	vld [tilespmem:$0x0];
	_ =	sdelay $0x4  }
0x1b: {  	v4 =	vshll.u32 v3, $0x3  }
0x1c: {  	v3 =	vand.u32 $0x7, v3;
	v4 =	vand.u32 $0xFFFFFFC0, v4  }
0x1d: {  	v3 =	vor.u32 v3, v4  }
0x1e: {  	v4 =	vperm.xlane v3, v0;
	_ =	sdelay $0x1  }
0x1f: {  	v4 =	vadd.s32 v1, v4;
	_ =	sdelay $0x3  }
0x20: {  	s26 =	simm.s32 $0x100  }
0x21: {  	[tilespmem:s26], [sflag:$0x1] =	stream.indirect_vreg.gather [hbm4b:s1+s3], $0x80, v4, vm0, $0xb8;
	[tilespmem:$0x10100] =	vst v63  }
0x22: {  	s28 =	simm.s32 $0x900;
	v3 =	vperm.xlane v3, v2  }
0x23: {  	[tilespmem:s28], [sflag:$0x1] =	stream.indirect_vreg.gather [hbm4b:s5+s3], $0x80, v4, vm0, $0xb8;
	[tilespmem:$0x10100] =	vst v63  }
0x24: {  	s29 =	simm.s32 $0x1100;
	v3 =	vadd.s32 v1, v3  }
0x25: {  	[tilespmem:s29], [sflag:$0x1] =	stream.indirect_vreg.gather [hbm4b:s6+s3], $0x80, v4, vm0, $0xb8;
	[tilespmem:$0x10100] =	vst v63  }
0x26: {  	s29 =	simm.s32 $0x1900  }
0x27: {  	[tilespmem:s29], [sflag:$0x1] =	stream.indirect_vreg.gather [hbm4b:s7+s3], $0x80, v4, vm0, $0xb8;
	[tilespmem:$0x10100] =	vst v63  }
0x28: {  	s30 =	simm.s32 $0x2100  }
0x29: {  	[tilespmem:s30], [sflag:$0x1] =	stream.indirect_vreg.gather [hbm4b:s1+s3], $0x80, v3, vm0, $0xb8;
	[tilespmem:$0x10100] =	vst v63  }
0x2a: {  	s30 =	simm.s32 $0x2900  }
0x2b: {  	[tilespmem:s30], [sflag:$0x1] =	stream.indirect_vreg.gather [hbm4b:s5+s3], $0x80, v3, vm0, $0xb8;
	[tilespmem:$0x10100] =	vst v63  }
0x2c: {  	s31 =	simm.s32 $0x3100  }
0x2d: {  	[tilespmem:s31], [sflag:$0x1] =	stream.indirect_vreg.gather [hbm4b:s6+s3], $0x80, v3, vm0, $0xb8;
	[tilespmem:$0x10100] =	vst v63  }
0x2e: {  	s31 =	simm.s32 $0x3900  }
0x2f: {  	[tilespmem:s31], [sflag:$0x1] =	stream.indirect_vreg.gather [hbm4b:s7+s3], $0x80, v3, vm0, $0xb8;
	[tilespmem:$0x10100] =	vst v63  }
0x30: {  	v3 =	vld [tilespmem:$0x10];
	_ =	sdelay $0x4  }
0x31: {  	v57 =	vshll.u32 v3, $0x3  }
0x32: {  	v3 =	vand.u32 $0x7, v3;
	v4 =	vand.u32 $0xFFFFFFC0, v57  }
0x33: {  	v3 =	vor.u32 v3, v4  }
0x34: {  	v4 =	vperm.xlane v3, v0;
	_ =	sdelay $0x1  }
0x35: {  	v4 =	vadd.s32 v1, v4;
	_ =	sdelay $0x3  }
0x36: {  	s0 =	simm.s32 $0x4100  }
0x37: {  	[tilespmem:s0], [sflag:$0x1] =	stream.indirect_vreg.gather [hbm4b:s1+s3], $0x80, v4, vm0, $0xb8;
	[tilespmem:$0x10100] =	vst v63  }
0x38: {  	s2 =	simm.s32 $0x4900;
	v3 =	vperm.xlane v3, v2  }
0x39: {  	[tilespmem:s2], [sflag:$0x1] =	stream.indirect_vreg.gather [hbm4b:s5+s3], $0x80, v4, vm0, $0xb8;
	[tilespmem:$0x10100] =	vst v63  }
0x3a: {  	v3 =	vadd.s32 v1, v3;
	s2 =	simm.s32 $0x5100  }
0x3b: {  	[tilespmem:s2], [sflag:$0x1] =	stream.indirect_vreg.gather [hbm4b:s6+s3], $0x80, v4, vm0, $0xb8;
	[tilespmem:$0x10100] =	vst v63  }
0x3c: {  	s11 =	simm.s32 $0x5900  }
0x3d: {  	[tilespmem:s11], [sflag:$0x1] =	stream.indirect_vreg.gather [hbm4b:s7+s3], $0x80, v4, vm0, $0xb8;
	[tilespmem:$0x10100] =	vst v63  }
0x3e: {  	s11 =	simm.s32 $0x6100  }
0x3f: {  	[tilespmem:s11], [sflag:$0x1] =	stream.indirect_vreg.gather [hbm4b:s1+s3], $0x80, v3, vm0, $0xb8;
	[tilespmem:$0x10100] =	vst v63  }
0x40: {  	s13 =	simm.s32 $0x6900  }
0x41: {  	[tilespmem:s13], [sflag:$0x1] =	stream.indirect_vreg.gather [hbm4b:s5+s3], $0x80, v3, vm0, $0xb8;
	[tilespmem:$0x10100] =	vst v63  }
0x42: {  	s13 =	simm.s32 $0x7100  }
0x43: {  	[tilespmem:s13], [sflag:$0x1] =	stream.indirect_vreg.gather [hbm4b:s6+s3], $0x80, v3, vm0, $0xb8;
	[tilespmem:$0x10100] =	vst v63  }
0x44: {  	s14 =	simm.s32 $0x7900  }
0x45: {  	[tilespmem:s14], [sflag:$0x1] =	stream.indirect_vreg.gather [hbm4b:s7+s3], $0x80, v3, vm0, $0xb8;
	[tilespmem:$0x10100] =	vst v63  }
0x46: {  	v3 =	vld [tilespmem:$0x20];
	_ =	sdelay $0x4  }
0x47: {  	v58 =	vshll.u32 v3, $0x3  }
0x48: {  	v3 =	vand.u32 $0x7, v3;
	v4 =	vand.u32 $0xFFFFFFC0, v58  }
0x49: {  	v3 =	vor.u32 v3, v4  }
0x4a: {  	v4 =	vperm.xlane v3, v0;
	_ =	sdelay $0x1  }
0x4b: {  	v4 =	vadd.s32 v1, v4;
	_ =	sdelay $0x3  }
0x4c: {  	s14 =	simm.s32 $0x8100  }
0x4d: {  	[tilespmem:s14], [sflag:$0x1] =	stream.indirect_vreg.gather [hbm4b:s1+s3], $0x80, v4, vm0, $0xb8;
	[tilespmem:$0x10100] =	vst v63  }
0x4e: {  	s15 =	simm.s32 $0x8900;
	v3 =	vperm.xlane v3, v2  }
0x4f: {  	[tilespmem:s15], [sflag:$0x1] =	stream.indirect_vreg.gather [hbm4b:s5+s3], $0x80, v4, vm0, $0xb8;
	[tilespmem:$0x10100] =	vst v63  }
0x50: {  	v3 =	vadd.s32 v1, v3;
	s15 =	simm.s32 $0x9100  }
0x51: {  	[tilespmem:s15], [sflag:$0x1] =	stream.indirect_vreg.gather [hbm4b:s6+s3], $0x80, v4, vm0, $0xb8;
	[tilespmem:$0x10100] =	vst v63  }
0x52: {  	s16 =	simm.s32 $0x9900  }
0x53: {  	[tilespmem:s16], [sflag:$0x1] =	stream.indirect_vreg.gather [hbm4b:s7+s3], $0x80, v4, vm0, $0xb8;
	[tilespmem:$0x10100] =	vst v63  }
0x54: {  	s16 =	simm.s32 $0xA100  }
0x55: {  	[tilespmem:s16], [sflag:$0x1] =	stream.indirect_vreg.gather [hbm4b:s1+s3], $0x80, v3, vm0, $0xb8;
	[tilespmem:$0x10100] =	vst v63  }
0x56: {  	s17 =	simm.s32 $0xA900  }
0x57: {  	[tilespmem:s17], [sflag:$0x1] =	stream.indirect_vreg.gather [hbm4b:s5+s3], $0x80, v3, vm0, $0xb8;
	[tilespmem:$0x10100] =	vst v63  }
0x58: {  	s17 =	simm.s32 $0xB100  }
0x59: {  	[tilespmem:s17], [sflag:$0x1] =	stream.indirect_vreg.gather [hbm4b:s6+s3], $0x80, v3, vm0, $0xb8;
	[tilespmem:$0x10100] =	vst v63  }
0x5a: {  	s18 =	simm.s32 $0xB900  }
0x5b: {  	[tilespmem:s18], [sflag:$0x1] =	stream.indirect_vreg.gather [hbm4b:s7+s3], $0x80, v3, vm0, $0xb8;
	[tilespmem:$0x10100] =	vst v63  }
0x5c: {  	v3 =	vld [tilespmem:$0x30];
	_ =	sdelay $0x4  }
0x5d: {  	v59 =	vshll.u32 v3, $0x3  }
0x5e: {  	v3 =	vand.u32 $0x7, v3;
	v4 =	vand.u32 $0xFFFFFFC0, v59  }
0x5f: {  	v3 =	vor.u32 v3, v4  }
0x60: {  	v4 =	vperm.xlane v3, v0;
	_ =	sdelay $0x1  }
0x61: {  	v4 =	vadd.s32 v1, v4;
	_ =	sdelay $0x3  }
0x62: {  	s18 =	simm.s32 $0xC100  }
0x63: {  	[tilespmem:s18], [sflag:$0x1] =	stream.indirect_vreg.gather [hbm4b:s1+s3], $0x80, v4, vm0, $0xb8;
	[tilespmem:$0x10100] =	vst v63  }
0x64: {  	s19 =	simm.s32 $0xC900;
	v3 =	vperm.xlane v3, v2  }
0x65: {  	[tilespmem:s19], [sflag:$0x1] =	stream.indirect_vreg.gather [hbm4b:s5+s3], $0x80, v4, vm0, $0xb8;
	[tilespmem:$0x10100] =	vst v63  }
0x66: {  	v3 =	vadd.s32 v1, v3;
	s19 =	simm.s32 $0xD100  }
0x67: {  	[tilespmem:s19], [sflag:$0x1] =	stream.indirect_vreg.gather [hbm4b:s6+s3], $0x80, v4, vm0, $0xb8;
	[tilespmem:$0x10100] =	vst v63  }
0x68: {  	s20 =	simm.s32 $0xD900  }
0x69: {  	[tilespmem:s20], [sflag:$0x1] =	stream.indirect_vreg.gather [hbm4b:s7+s3], $0x80, v4, vm0, $0xb8;
	[tilespmem:$0x10100] =	vst v63  }
0x6a: {  	s20 =	simm.s32 $0xE100  }
0x6b: {  	[tilespmem:s20], [sflag:$0x1] =	stream.indirect_vreg.gather [hbm4b:s1+s3], $0x80, v3, vm0, $0xb8;
	[tilespmem:$0x10100] =	vst v63  }
0x6c: {  	_ = 	snop  }
0x6d: {  	[tilespmem:s21], [sflag:$0x1] =	stream.indirect_vreg.gather [hbm4b:s5+s3], $0x80, v3, vm0, $0xb8;
	[tilespmem:$0x10100] =	vst v63  }
0x6e: {  	_ = 	snop  }
0x6f: {  	[tilespmem:s22], [sflag:$0x1] =	stream.indirect_vreg.gather [hbm4b:s6+s3], $0x80, v3, vm0, $0xb8;
	[tilespmem:$0x10100] =	vst v63  }
0x70: {  	_ = 	snop  }
0x71: {  	[tilespmem:s23], [sflag:$0x1] =	stream.indirect_vreg.gather [hbm4b:s7+s3], $0x80, v3, vm0, $0xb8;
	[tilespmem:$0x10100] =	vst v63  }
0x72: {  	_ =	swait.ge [sflag:s24], $0x10000  }
0x73: {  	[sflag:s24] =	ssyncset.done $0x0  }
0x74: {  	[sflag:s24] =	ssyncadd.s32 $0xFFFF0000  }
0x75: {  	v3 =	vld [tilespmem:$0x80];
	_ =	sdelay $0x4  }
0x76: {  	v60 =	vshll.u32 v3, $0x3  }
0x77: {  	v3 =	vand.u32 $0x7, v3;
	v4 =	vand.u32 $0xFFFFFFC0, v60  }
0x78: {  	v3 =	vor.u32 v3, v4  }
0x79: {  	v4 =	vperm.xlane v3, v0;
	_ =	sdelay $0x1  }
0x7a: {  	v4 =	vadd.s32 v1, v4;
	_ =	sdelay $0x4  }
0x7b: {  	[hbm4b:s4+s3] =	stream.indirect_vreg.scatter [tilespmem:s26], [sflag:$0x1], $0x80, v4, vm0, $0xb8;
	[tilespmem:$0x10100] =	vst v63  }
0x7c: {  	v3 =	vperm.xlane v3, v2  }
0x7d: {  	[hbm4b:s8+s3] =	stream.indirect_vreg.scatter [tilespmem:s28], [sflag:$0x1], $0x80, v4, vm0, $0xb8;
	[tilespmem:$0x10100] =	vst v63  }
0x7e: {  	s0 =	simm.s32 $0x1100;
	v3 =	vadd.s32 v1, v3  }
0x7f: {  	[hbm4b:s9+s3] =	stream.indirect_vreg.scatter [tilespmem:s0], [sflag:$0x1], $0x80, v4, vm0, $0xb8;
	[tilespmem:$0x10100] =	vst v63  }
0x80: {  	_ = 	snop  }
0x81: {  	[hbm4b:s10+s3] =	stream.indirect_vreg.scatter [tilespmem:s29], [sflag:$0x1], $0x80, v4, vm0, $0xb8;
	[tilespmem:$0x10100] =	vst v63  }
0x82: {  	s0 =	simm.s32 $0x2100  }
0x83: {  	[hbm4b:s4+s3] =	stream.indirect_vreg.scatter [tilespmem:s0], [sflag:$0x1], $0x80, v3, vm0, $0xb8;
	[tilespmem:$0x10100] =	vst v63  }
0x84: {  	_ = 	snop  }
0x85: {  	[hbm4b:s8+s3] =	stream.indirect_vreg.scatter [tilespmem:s30], [sflag:$0x1], $0x80, v3, vm0, $0xb8;
	[tilespmem:$0x10100] =	vst v63  }
0x86: {  	s28 =	simm.s32 $0x3100  }
0x87: {  	[hbm4b:s9+s3] =	stream.indirect_vreg.scatter [tilespmem:s28], [sflag:$0x1], $0x80, v3, vm0, $0xb8;
	[tilespmem:$0x10100] =	vst v63  }
0x88: {  	_ = 	snop  }
0x89: {  	[hbm4b:s10+s3] =	stream.indirect_vreg.scatter [tilespmem:s31], [sflag:$0x1], $0x80, v3, vm0, $0xb8;
	[tilespmem:$0x10100] =	vst v63  }
0x8a: {  	v3 =	vld [tilespmem:$0x90];
	_ =	sdelay $0x4  }
0x8b: {  	v61 =	vshll.u32 v3, $0x3  }
0x8c: {  	v3 =	vand.u32 $0x7, v3;
	v4 =	vand.u32 $0xFFFFFFC0, v61  }
0x8d: {  	v3 =	vor.u32 v3, v4  }
0x8e: {  	v4 =	vperm.xlane v3, v0;
	_ =	sdelay $0x1  }
0x8f: {  	v4 =	vadd.s32 v1, v4;
	_ =	sdelay $0x3  }
0x90: {  	s29 =	simm.s32 $0x4100  }
0x91: {  	[hbm4b:s4+s3] =	stream.indirect_vreg.scatter [tilespmem:s29], [sflag:$0x1], $0x80, v4, vm0, $0xb8;
	[tilespmem:$0x10100] =	vst v63  }
0x92: {  	s30 =	simm.s32 $0x4900;
	v3 =	vperm.xlane v3, v2  }
0x93: {  	[hbm4b:s8+s3] =	stream.indirect_vreg.scatter [tilespmem:s30], [sflag:$0x1], $0x80, v4, vm0, $0xb8;
	[tilespmem:$0x10100] =	vst v63  }
0x94: {  	v3 =	vadd.s32 v1, v3  }
0x95: {  	[hbm4b:s9+s3] =	stream.indirect_vreg.scatter [tilespmem:s2], [sflag:$0x1], $0x80, v4, vm0, $0xb8;
	[tilespmem:$0x10100] =	vst v63  }
0x96: {  	s31 =	simm.s32 $0x5900  }
0x97: {  	[hbm4b:s10+s3] =	stream.indirect_vreg.scatter [tilespmem:s31], [sflag:$0x1], $0x80, v4, vm0, $0xb8;
	[tilespmem:$0x10100] =	vst v63  }
0x98: {  	_ = 	snop  }
0x99: {  	[hbm4b:s4+s3] =	stream.indirect_vreg.scatter [tilespmem:s11], [sflag:$0x1], $0x80, v3, vm0, $0xb8;
	[tilespmem:$0x10100] =	vst v63  }
0x9a: {  	s2 =	simm.s32 $0x6900  }
0x9b: {  	[hbm4b:s8+s3] =	stream.indirect_vreg.scatter [tilespmem:s2], [sflag:$0x1], $0x80, v3, vm0, $0xb8;
	[tilespmem:$0x10100] =	vst v63  }
0x9c: {  	_ = 	snop  }
0x9d: {  	[hbm4b:s9+s3] =	stream.indirect_vreg.scatter [tilespmem:s13], [sflag:$0x1], $0x80, v3, vm0, $0xb8;
	[tilespmem:$0x10100] =	vst v63  }
0x9e: {  	s11 =	simm.s32 $0x7900  }
0x9f: {  	[hbm4b:s10+s3] =	stream.indirect_vreg.scatter [tilespmem:s11], [sflag:$0x1], $0x80, v3, vm0, $0xb8;
	[tilespmem:$0x10100] =	vst v63  }
0xa0: {  	v3 =	vld [tilespmem:$0xA0];
	_ =	sdelay $0x4  }
0xa1: {  	v62 =	vshll.u32 v3, $0x3  }
0xa2: {  	v3 =	vand.u32 $0x7, v3;
	v4 =	vand.u32 $0xFFFFFFC0, v62  }
0xa3: {  	v3 =	vor.u32 v3, v4  }
0xa4: {  	v4 =	vperm.xlane v3, v0;
	_ =	sdelay $0x1  }
0xa5: {  	v4 =	vadd.s32 v1, v4;
	_ =	sdelay $0x4  }
0xa6: {  	[hbm4b:s4+s3] =	stream.indirect_vreg.scatter [tilespmem:s14], [sflag:$0x1], $0x80, v4, vm0, $0xb8;
	[tilespmem:$0x10100] =	vst v63  }
0xa7: {  	s13 =	simm.s32 $0x8900;
	v3 =	vperm.xlane v3, v2  }
0xa8: {  	[hbm4b:s8+s3] =	stream.indirect_vreg.scatter [tilespmem:s13], [sflag:$0x1], $0x80, v4, vm0, $0xb8;
	[tilespmem:$0x10100] =	vst v63  }
0xa9: {  	v3 =	vadd.s32 v1, v3  }
0xaa: {  	[hbm4b:s9+s3] =	stream.indirect_vreg.scatter [tilespmem:s15], [sflag:$0x1], $0x80, v4, vm0, $0xb8;
	[tilespmem:$0x10100] =	vst v63  }
0xab: {  	s26 =	simm.s32 $0x9900  }
0xac: {  	[hbm4b:s10+s3] =	stream.indirect_vreg.scatter [tilespmem:s26], [sflag:$0x1], $0x80, v4, vm0, $0xb8;
	[tilespmem:$0x10100] =	vst v63  }
0xad: {  	_ = 	snop  }
0xae: {  	[hbm4b:s4+s3] =	stream.indirect_vreg.scatter [tilespmem:s16], [sflag:$0x1], $0x80, v3, vm0, $0xb8;
	[tilespmem:$0x10100] =	vst v63  }
0xaf: {  	s28 =	simm.s32 $0xA900  }
0xb0: {  	[hbm4b:s8+s3] =	stream.indirect_vreg.scatter [tilespmem:s28], [sflag:$0x1], $0x80, v3, vm0, $0xb8;
	[tilespmem:$0x10100] =	vst v63  }
0xb1: {  	_ = 	snop  }
0xb2: {  	[hbm4b:s9+s3] =	stream.indirect_vreg.scatter [tilespmem:s17], [sflag:$0x1], $0x80, v3, vm0, $0xb8;
	[tilespmem:$0x10100] =	vst v63  }
0xb3: {  	s29 =	simm.s32 $0xB900  }
0xb4: {  	[hbm4b:s10+s3] =	stream.indirect_vreg.scatter [tilespmem:s29], [sflag:$0x1], $0x80, v3, vm0, $0xb8;
	[tilespmem:$0x10100] =	vst v63  }
0xb5: {  	v3 =	vld [tilespmem:$0xB0];
	_ =	sdelay $0x4  }
0xb6: {  	v63 =	vshll.u32 v3, $0x3  }
0xb7: {  	v3 =	vand.u32 $0x7, v3;
	v4 =	vand.u32 $0xFFFFFFC0, v63  }
0xb8: {  	v3 =	vor.u32 v3, v4  }
0xb9: {  	v4 =	vperm.xlane v3, v0;
	_ =	sdelay $0x1  }
0xba: {  	v4 =	vadd.s32 v1, v4;
	_ =	sdelay $0x4  }
0xbb: {  	[hbm4b:s4+s3] =	stream.indirect_vreg.scatter [tilespmem:s18], [sflag:$0x1], $0x80, v4, vm0, $0xb8;
	[tilespmem:$0x10100] =	vst v63  }
0xbc: {  	s30 =	simm.s32 $0xC900;
	v3 =	vperm.xlane v3, v2  }
0xbd: {  	[hbm4b:s8+s3] =	stream.indirect_vreg.scatter [tilespmem:s30], [sflag:$0x1], $0x80, v4, vm0, $0xb8;
	[tilespmem:$0x10100] =	vst v63  }
0xbe: {  	v3 =	vadd.s32 v1, v3  }
0xbf: {  	[hbm4b:s9+s3] =	stream.indirect_vreg.scatter [tilespmem:s19], [sflag:$0x1], $0x80, v4, vm0, $0xb8;
	[tilespmem:$0x10100] =	vst v63  }
0xc0: {  	s31 =	simm.s32 $0xD900  }
0xc1: {  	[hbm4b:s10+s3] =	stream.indirect_vreg.scatter [tilespmem:s31], [sflag:$0x1], $0x80, v4, vm0, $0xb8;
	[tilespmem:$0x10100] =	vst v63  }
0xc2: {  	_ = 	snop  }
0xc3: {  	[hbm4b:s4+s3] =	stream.indirect_vreg.scatter [tilespmem:s20], [sflag:$0x1], $0x80, v3, vm0, $0xb8;
	[tilespmem:$0x10100] =	vst v63  }
0xc4: {  	_ = 	snop  }
0xc5: {  	[hbm4b:s8+s3] =	stream.indirect_vreg.scatter [tilespmem:s21], [sflag:$0x1], $0x80, v3, vm0, $0xb8;
	[tilespmem:$0x10100] =	vst v63  }
0xc6: {  	p0 =	sne.s32 s25, $0x18  }
0xc7: {  	[hbm4b:s9+s3] =	stream.indirect_vreg.scatter [tilespmem:s22], [sflag:$0x1], $0x80, v3, vm0, $0xb8;
	[tilespmem:$0x10100] =	vst v63  }
.Ltmp0:
0xc8: {  	_ = 	snop;
	(pc) =	sbr.rel @p0 .LBB2_2-.Ltmp0, $4  }
0xc9: {  	[hbm4b:s10+s3] =	stream.indirect_vreg.scatter [tilespmem:s23], [sflag:$0x1], $0x80, v3, vm0, $0xb8;
	[tilespmem:$0x10100] =	vst v63  }
0xca: {  	_ =	swait.ge [sflag:s24], $0x10000  }
0xcb: {  	[sflag:s24] =	ssyncset.done $0x0  }
0xcc: {  	s25 =	sadd.s32 $0x8, s25;
	[sflag:s24] =	ssyncadd.s32 $0xFFFF0000  }
0xcd: {  	s0 =	rddreg [dreg:$0x8]  }
0xce: {  	s25 =	rddreg [dreg:$0x7];
	s0 =	sadd.s32 $0x1, s0  }
0xcf: {  	p0 =	sne.s32 s0, s25  }
.Ltmp1:
0xd0: {  	_ = 	snop;
	(pc) =	sbr.rel @p0 .LBB2_1-.Ltmp1, $1  }
0xd1: {  	_ =	sdelay $0x3  }
0xd2: {  	_ =	sfence.sel $0x180000  }
0xd3: {  	[bflag:$0x0] =	sbarrier.arrive $0xFFFF  }
0xd4: {  	_ =	strace $0x90000047  }
0xd5: {  	s0 =	stileid.u32;
	[bflag:$0x2] =	sbarrier.arrive $0xFFFF  }
0xd6: {  	p0 =	sne.s32 s0, $0x0;
	s0 =	rddreg [dreg:$0x3]  }
0xd7: {  	s0 =	sadd.s32 @!p0 $0x100000, s0  }
0xd8: {  	[sflag:s0] =	ssyncadd.tile.s32 @!p0 $0x1;
	_ =	shalt  }
.Lfunc_end2:
_tile_overlayer_lowered:
.L_overlay_start_2:
0xd9: {  	(tag) =	ssettag $0x2  }
0xda: {  	s0 =	rddreg [dreg:$0x0];
	s2 =	stileid.u32  }
0xdb: {  	s1 =	rddreg [dreg:$0x1];
	p0 =	sne.s32 s2, $0x0  }
0xdc: {  	s3 =	rddreg [dreg:$0x2];
	[bflag:$0x3] =	sbarrier.arrive $0xFFFF;
	s2 =	simm.s32 @!p0 $0x1C02  }
0xdd: {  	[timem:s3], [sflag:s2] =	dma.local @!p0 [hbm:s0], s1  }
0xde: {  	s0 =	simm.s32 @!p0 $0x2  }
0xdf: {  	_ =	swait.ge @!p0 [sflag:s0], s1  }
0xe0: {  	s1 =	ssub.s32 @!p0 $0x0, s1;
	[sflag:s0] =	ssyncset.done @!p0 $0x0  }
0xe1: {  	[sflag:s0] =	ssyncadd.s32 @!p0 s1  }
0xe2: {  	[bflag:$0x3] =	sbarrier.arrive $0xFFFF  }
0xe3: {  	_ =	shalt  }

// kernel: kernel.9.cloned.1.call-start
scs
__scs_entry_jumppad:
0x0: {  	(pc) =	sbr.rel $0x88, $3  }
0x1: {  	(tag) =	ssettag $0x0;
	lr =	simm.s32 $0x1  }
0x2: {  	[smem:$0x3F9C] =	sst lr;
	_ =	strace $0xD0000000  }
0x3: {  	_ = 	snop  }
0x4: {  	_ = 	snop  }
0x5: {  	_ = 	snop  }
0x6: {  	_ = 	snop  }
0x7: {  	_ = 	snop  }
__scs_overlays_trampoline_lowered:
0x8: {  	[smem:$0x3FAB] =	sst s0  }
0x9: {  	[smem:$0x3FAC] =	sst s1  }
0xa: {  	[smem:$0x3FAD] =	sst s2  }
0xb: {  	[smem:$0x3FAE] =	sst s3  }
0xc: {  	[smem:$0x3FAF] =	sst s4  }
0xd: {  	[smem:$0x3FB0] =	sst s5  }
0xe: {  	[smem:$0x3FB1] =	sst s6  }
0xf: {  	[smem:$0x3FB2] =	sst s7  }
0x10: {  	[smem:$0x3FB3] =	sst s8  }
0x11: {  	[smem:$0x3FB4] =	sst s9;
	s0 =	simm.s32 @!p0 $0x0  }
0x12: {  	s1 =	sld [smem:$0x3F9A];
	s0 =	simm.s32 @p0 $0x1  }
0x13: {  	[smem:$0x3FB5] =	sst s0;
	s0 =	simm.s32 @!p1 $0x0  }
0x14: {  	s2 =	sld [smem:$0x3F99];
	s0 =	simm.s32 @p1 $0x1  }
0x15: {  	[smem:$0x3FB6] =	sst s0;
	s0 =	simm.s32 @!p2 $0x0  }
0x16: {  	s3 =	sld [smem:$0x3FDB];
	s0 =	simm.s32 @p2 $0x1  }
0x17: {  	s4 =	simm.s32 $0x1BF5;
	[smem:$0x3FB8] =	sst s0  }
0x18: {  	s0 =	sld [smem:$0x3F9B];
	_ =	swait.ge [sflag:s4], $0x0  }
0x19: {  	s7 =	sld [smem:$0x3F9C]  }
0x1a: {  	s8 =	sadd.s32 $0xFFFFE003, lr  }
0x1b: {  	s9 =	sadd.s32 $0xFFFFFEF7, lr;
	s5 =	simm.s32 $0xFFFFFFFF;
	p2 =	slt.u32 s8, $0xFFFFF086  }
0x1c: {  	p1 =	slt.u32 s9, $0xF7A;
	s5 =	simm.s32 @!p2 $0x0  }
0x1d: {  	s5 =	simm.s32 @p1 $0x1;
	p0 =	seq.s32 s7, s2  }
0x1e: {  	s7 =	smul.u32 @!p0 $0xF7A, s2;
	p2 =	seq.s32 @!p0 s5, $0x0  }
0x1f: {  	s9 =	smul.u32 $0xF7A, s1;
	s8 =	simm.s32 @!p0 $0x1BF5;
	p2 =	por !p2, p0  }
0x20: {  	[sflag:s8] =	ssyncset.s32 @!p0 $0xFFFFF086;
	s6 =	sadd.s32 @!p0 s3, s7;
	s7 =	simm.s32 @!p0 $0x108  }
0x21: {  	s3 =	sadd.s32 s3, s9;
	s6 =	sadd.s32 @!p0 $0x88, s6;
	s7 =	simm.s32 @p2 $0x1082  }
0x22: {  	[simem:s7], [sflag:s8] =	dma.local @!p0 [hbm:s6], $0xF7A  }
0x23: {  	s9 =	sor.u32 $0xD0000000, s2;
	s6 =	simm.s32 $0x108;
	_ =	swait.ge @!p0 [sflag:s8], $0x0  }
0x24: {  	s3 =	sadd.s32 $0x88, s3;
	s6 =	simm.s32 @!p1 $0x1082;
	[sflag:s4] =	ssyncset.s32 $0xFFFFF086  }
0x25: {  	[simem:s6], [sflag:s4] =	dma.local [hbm:s3], $0xF7A  }
0x26: {  	[smem:$0x3F9C] =	sst s1;
	(tag) =	ssettag s2;
	_ =	strace s9  }
0x27: {  	s1 =	sld [smem:$0x3FAC]  }
0x28: {  	s2 =	sld [smem:$0x3FAD]  }
0x29: {  	s4 =	sld [smem:$0x3FAF]  }
0x2a: {  	p0 =	seq.s32 s5, $0x0;
	s5 =	sld [smem:$0x3FB0]  }
0x2b: {  	s6 =	sld [smem:$0x3FB1]  }
0x2c: {  	s7 =	sld [smem:$0x3FB2]  }
0x2d: {  	s3 =	simm.s32 $0x108;
	s8 =	sld [smem:$0x3FB3]  }
0x2e: {  	s3 =	simm.s32 @!p0 $0x1082;
	s9 =	sld [smem:$0x3FB4]  }
0x2f: {  	lr =	sadd.s32 s0, s3;
	s0 =	sld [smem:$0x3FAB]  }
0x30: {  	s3 =	sld [smem:$0x3FAE]  }
0x31: {  	[smem:$0x3FB7] =	sst s10  }
0x32: {  	s10 =	sld [smem:$0x3FB5];
	_ =	sdelay $0x3  }
0x33: {  	p0 =	seq.s32 s10, $0x1;
	s10 =	sld [smem:$0x3FB7];
	_ =	sdelay $0x3  }
0x34: {  	[smem:$0x3FB7] =	sst s10  }
0x35: {  	s10 =	sld [smem:$0x3FB6];
	_ =	sdelay $0x3  }
0x36: {  	p1 =	seq.s32 s10, $0x1;
	s10 =	sld [smem:$0x3FB7];
	_ =	sdelay $0x3  }
0x37: {  	[smem:$0x3FB7] =	sst s10  }
0x38: {  	s10 =	sld [smem:$0x3FB8]  }
0x39: {  	_ = 	snop;
	(pc) =	sbr.ind lr, $3  }
0x3a: {  	_ = 	snop  }
0x3b: {  	_ = 	snop  }
0x3c: {  	p2 =	seq.s32 s10, $0x1;
	s10 =	sld [smem:$0x3FB7]  }
0x3d: {  	_ =	shalt  }
0x3e: {  	_ =	shalt  }
0x3f: {  	_ =	shalt  }
0x40: {  	_ =	shalt  }
0x41: {  	_ =	shalt  }
0x42: {  	_ =	shalt  }
0x43: {  	_ =	shalt  }
0x44: {  	_ =	shalt  }
0x45: {  	_ =	shalt  }
0x46: {  	_ =	shalt  }
0x47: {  	_ =	shalt  }
0x48: {  	_ =	shalt  }
0x49: {  	_ =	shalt  }
0x4a: {  	_ =	shalt  }
0x4b: {  	_ =	shalt  }
0x4c: {  	_ =	shalt  }
0x4d: {  	_ =	shalt  }
0x4e: {  	_ =	shalt  }
0x4f: {  	_ =	shalt  }
0x50: {  	_ =	shalt  }
0x51: {  	_ =	shalt  }
0x52: {  	_ =	shalt  }
0x53: {  	_ =	shalt  }
0x54: {  	_ =	shalt  }
0x55: {  	_ =	shalt  }
0x56: {  	_ =	shalt  }
0x57: {  	_ =	shalt  }
0x58: {  	_ =	shalt  }
0x59: {  	_ =	shalt  }
0x5a: {  	_ =	shalt  }
0x5b: {  	_ =	shalt  }
0x5c: {  	_ =	shalt  }
0x5d: {  	_ =	shalt  }
0x5e: {  	_ =	shalt  }
0x5f: {  	_ =	shalt  }
0x60: {  	_ =	shalt  }
0x61: {  	_ =	shalt  }
0x62: {  	_ =	shalt  }
0x63: {  	_ =	shalt  }
0x64: {  	_ =	shalt  }
0x65: {  	_ =	shalt  }
0x66: {  	_ =	shalt  }
0x67: {  	_ =	shalt  }
0x68: {  	_ =	shalt  }
0x69: {  	_ =	shalt  }
0x6a: {  	_ =	shalt  }
0x6b: {  	_ =	shalt  }
0x6c: {  	_ =	shalt  }
0x6d: {  	_ =	shalt  }
0x6e: {  	_ =	shalt  }
0x6f: {  	_ =	shalt  }
0x70: {  	_ =	shalt  }
0x71: {  	_ =	shalt  }
0x72: {  	_ =	shalt  }
0x73: {  	_ =	shalt  }
0x74: {  	_ =	shalt  }
0x75: {  	_ =	shalt  }
0x76: {  	_ =	shalt  }
0x77: {  	_ =	shalt  }
0x78: {  	_ =	shalt  }
0x79: {  	_ =	shalt  }
0x7a: {  	_ =	shalt  }
0x7b: {  	_ =	shalt  }
0x7c: {  	_ =	shalt  }
0x7d: {  	_ =	shalt  }
0x7e: {  	_ =	shalt  }
0x7f: {  	_ =	shalt  }
0x80: {  	_ =	shalt  }
0x81: {  	_ =	shalt  }
0x82: {  	_ =	shalt  }
0x83: {  	_ =	shalt  }
0x84: {  	_ =	shalt  }
0x85: {  	_ =	shalt  }
0x86: {  	_ =	shalt  }
0x87: {  	_ =	shalt  }
.Lfunc_end0:
.L_simem_size_0:
called_computation.1_lowered:
.L_overlay_start_0:
0x88: {  	s2 =	sld [smem:$0x3FD9]  }
0x89: {  	s3 =	sld [smem:$0x3FFE];
	_ =	sdelay $0x1  }
0x8a: {  	s1 =	srdreg.scid  }
0x8b: {  	s0 =	sand.u32 $0x1, s1  }
0x8c: {  	s16 =	sshll.u32 s0, $0xA;
	s2 =	sadd.s32 s3, s2  }
0x8d: {  	s2 =	sadd.s32 s2, s16  }
0x8e: {  	[smem:$0x3FC3] =	sst s2  }
0x8f: {  	_ = 	snop  }
0x90: {  	(tm) =	ssettm $0x1  }
0x91: {  	s17 =	sld [smem:$0x3FFB];
	_ =	sdelay $0x3  }
0x92: {  	_ =	strace s17  }
0x93: {  	s2 =	sld [smem:$0x3FFC];
	_ =	sdelay $0x3  }
0x94: {  	_ =	strace s2  }
0x95: {  	s2 =	sld [smem:$0x3FFD];
	_ =	sdelay $0x3  }
0x96: {  	_ =	strace s2  }
0x97: {  	_ =	strace $0x8FFFFFFF  }
0x98: {  	s18 =	sld [smem:$0x3FDB];
	_ =	sdelay $0x1  }
0x99: {  	s19 =	simm.s32 $_scs_section_size  }
0x9a: {  	s4 =	simm.s32 $_size__tile_overlayer_lowered;
	s5 =	simm.s32 $_tile_overlayer_lowered  }
0x9b: {  	s22 =	simm.s32 $0x1BFF;
	s21 =	sshll.u32 s5, $0x1;
	s2 =	sadd.s32 s19, s18  }
0x9c: {  	s6 =	simm.s32 $0x0;
	s20 =	sshll.u32 s4, $0x1;
	s4 =	sadd.s32 s21, s2  }
0x9d: {  	[timem:s6], [sflag:s22] =	dma.local [hbm:s4], s20  }
0x9e: {  	_ =	swait.ge [sflag:s22], s20  }
0x9f: {  	s3 =	ssub.s32 $0x0, s20;
	[sflag:s22] =	ssyncset.done $0x0  }
0xa0: {  	[sflag:s22] =	ssyncadd.s32 s3;
	_ =	sdelay $0x1  }
0xa1: {  	s23 =	simm.s32 $0x1B8B  }
0xa2: {  	_ =	swait.ge [sflag:s23], $0x1  }
0xa3: {  	[sflag:s23] =	ssyncset.done $0x0  }
0xa4: {  	s25 =	simm.s32 $0x1B8E;
	s24 =	sld [smem:$0x3FFE];
	[sflag:s23] =	ssyncadd.s32 $0xFFFFFFFF  }
0xa5: {  	s26 =	simm.s32 $execute0_lowered;
	[smem:$0x3FD2] =	sst s25  }
0xa6: {  	s4 =	sshll.u32 s26, $0x1;
	_ =	strace $0x80000049;
	[dreg:$0x1] =	wrdreg $0xFFFFFFFF  }
0xa7: {  	s28 =	simm.s32 $_size_execute0_lowered;
	s2 =	sadd.s32 s2, s4;
	[dreg:$0x0] =	wrdreg $0x0  }
0xa8: {  	s4 =	sshll.u32 s28, $0x1;
	[dreg:$0x2] =	wrdreg s2  }
0xa9: {  	[dreg:$0x3] =	wrdreg s4  }
0xaa: {  	[dreg:$0x4] =	wrdreg $0xC0  }
0xab: {  	_ =	task [dreg:s6], $0x5FFFF  }
0xac: {  	[dreg:$0x1] =	wrdreg $0xFFFFFFFF  }
0xad: {  	[dreg:$0x0] =	wrdreg $0x60  }
0xae: {  	[dreg:$0x2] =	wrdreg s24  }
0xaf: {  	[dreg:$0x3] =	wrdreg $0x9  }
0xb0: {  	_ =	task.clear_ibuf [dreg:s6], $0x4FFFF;
	_ =	strace $0x90000049  }
0xb1: {  	s29 =	simm.s32 $0x9;
	_ =	strace $0x8000004B  }
0xb2: {  	_ =	swait.ge [sflag:s29], $0x1  }
0xb3: {  	[sflag:s29] =	ssyncadd.s32 $0xFFFFFFFF  }
0xb4: {  	_ =	strace $0x9000004B  }
0xb5: {  	_ =	sfence  }
0xb6: {  	s30 =	sld [smem:$0x0];
	_ =	sdelay $0x2  }
0xb7: {  	s31 =	sshll.u32 s1, $0xD;
	s1 =	sshrl.u32 s1, $0x2  }
0xb8: {  	s3 =	sand.u32 $0x4000, s31;
	s1 =	sadd.s32 s1, s30  }
0xb9: {  	s0 =	sor.u32 s3, s0;
	s1 =	sshll.u32 s1, $0x11  }
0xba: {  	s0 =	sor.u32 s1, s0  }
0xbb: {  	s0 =	sadd.s32 $0x8F2B, s0  }
0xbc: {  	[sflag:s0] =	ssyncadd.remote.s32 $0x1  }
0xbd: {  	_ =	sfence.sel $0xFFFF  }
0xbe: {  	[dreg:$0x0] =	wrdreg $0xFFFFFFFF;
	(pc) =	sbr.abs _section_cstart, $3  }
0xbf: {  	[dreg:$0x1] =	wrdreg $0xFFFFFFFF  }
0xc0: {  	_ =	task.clear_ibuf [dreg:s6], $0x2FFFF;
	_ =	strace $0x9FFFFFFF  }
0xc1: {  	(tm) =	ssettm $0x7FFFFFFF  }
tec
execute0_lowered:
.L_overlay_start_1:
0x0: {  	(tag) =	ssettag $0x1  }
0x1: {  	s0 =	srdreg.scid  }
0x2: {  	s9 =	stileid.u32;
	s1 =	rddreg [dreg:$0x0];
	s2 =	simm.s32 $0x0  }
0x3: {  	s15 =	simm.s32 $0x880;
	s16 =	simm.s32 $0x1080;
	[smem:$0x7FF] =	sst s2  }
0x4: {  	s17 =	simm.s32 $0x1880;
	_ =	strace $0x8000004A;
	[dreg:$0x3] =	wrdreg s15  }
0x5: {  	s18 =	simm.s32 $0x2080;
	s8 =	simm.s32 $0x2880;
	[dreg:$0x4] =	wrdreg s16  }
0x6: {  	s19 =	simm.s32 $0x3080;
	s20 =	simm.s32 $0x3880;
	[dreg:$0x5] =	wrdreg s17  }
0x7: {  	s21 =	simm.s32 $0x4080;
	s22 =	simm.s32 $0x4880;
	[dreg:$0x6] =	wrdreg s18  }
0x8: {  	s23 =	simm.s32 $0x5080;
	s24 =	simm.s32 $0x5880;
	[dreg:$0x7] =	wrdreg s8  }
0x9: {  	s25 =	simm.s32 $0x6080;
	s10 =	simm.s32 $0x80;
	[dreg:$0x8] =	wrdreg s19  }
0xa: {  	s26 =	simm.s32 $0x6880;
	s11 =	simm.s32 $0x7080;
	[dreg:$0x9] =	wrdreg s20  }
0xb: {  	s12 =	simm.s32 $0x7880;
	s13 =	simm.s32 $0x8080;
	[dreg:$0xa] =	wrdreg s21  }
0xc: {  	s28 =	simm.s32 $0xF080;
	s29 =	simm.s32 $0xF880;
	[dreg:$0xb] =	wrdreg s22  }
0xd: {  	s30 =	simm.s32 $0x1;
	s31 =	simm.s32 $0x0;
	[dreg:$0xc] =	wrdreg s23  }
0xe: {  	s0 =	sand.u32 $0x1, s0;
	s3 =	sshll.u32 s9, $0x9;
	[dreg:$0xd] =	wrdreg s24  }
0xf: {  	s9 =	sshll.u32 s9, $0x10;
	s4 =	sshll.u32 s0, $0x8;
	[dreg:$0xe] =	wrdreg s25  }
0x10: {  	s5 =	ssub.s32 $0x2, s0;
	s0 =	sshll.u32 s0, $0xF;
	[dreg:$0xf] =	wrdreg s26  }
0x11: {  	s15 =	simm.s32 $0x9080;
	s16 =	simm.s32 $0x9880;
	s17 =	simm.s32 $0xA080  }
0x12: {  	s18 =	simm.s32 $0xA880;
	s19 =	simm.s32 $0xB080;
	s20 =	simm.s32 $0xB880  }
0x13: {  	s21 =	simm.s32 $0xC080;
	s22 =	simm.s32 $0xC880;
	s23 =	simm.s32 $0xD080  }
0x14: {  	s24 =	simm.s32 $0xD880;
	s3 =	sor.u32 s4, s3;
	s6 =	sshrl.u32 s5, $0x1  }
0x15: {  	s25 =	simm.s32 $0xE080;
	s3 =	sshrl.u32 s3, $0x3;
	s7 =	ssub.s32 s5, s6  }
0x16: {  	s5 =	sadd.s32 $0x300E00, s1;
	s6 =	sadd.s32 $0x300F00, s1;
	s14 =	sadd.s32 s3, s1  }
0x17: {  	s3 =	sadd.s32 $0x300C00, s1;
	s7 =	smax.u32 s7, $0x1;
	s4 =	sadd.s32 $0x300800, s14  }
0x18: {  	v2 =	vlaneseq.u32;
	[dreg:$0x2] =	wrdreg s4;
	s4 =	sadd.s32 $0x300D00, s1;
	s1 =	sadd.s32 s9, s1  }
0x19: {  	vm0 =	vmmov $0xffff;
	v1 =	vshrl.u32 v2, $0x3;
	s26 =	simm.s32 $0xE880;
	[dreg:$0x10] =	wrdreg s7;
	s0 =	sadd.s32 s0, s1  }
0x1a: {  	v0 =	vand.u32 $0x7, v2;
	v2 =	vor.u32 $0x8, v2;
	v1 =	vmul.u32 $0x8, v1;
	s14 =	simm.s32 $0x8880;
	s9 =	simm.s32 $0x2;
	[dreg:$0x11] =	wrdreg s0  }
.LBB2_1:
0x1b: {  	s8 =	rddreg [dreg:$0x11];
	s0 =	simm.s32 $0x0  }
.LBB2_2:
0x1c: {  	s7 =	rddreg [dreg:$0x2]  }
0x1d: {  	s7 =	sadd.s32 s0, s7  }
0x1e: {  	[tilespmem:s2], [sflag:$0x2] =	stream.linear.gather [hbm4b:s7+s2], $0x40, $0x38;
	[tilespmem:$0x10080] =	vst v63  }
0x1f: {  	_ =	swait.ge [sflag:s9], $0x40  }
0x20: {  	[sflag:s9] =	ssyncset.done $0x0  }
0x21: {  	[sflag:s9] =	ssyncadd.s32 $0xFFFFFFC0  }
0x22: {  	v3 =	vld [tilespmem:$0x0];
	_ =	sdelay $0x4  }
0x23: {  	v4 =	vshll.u32 v3, $0x3  }
0x24: {  	v3 =	vand.u32 $0x7, v3;
	v4 =	vand.u32 $0xFFFFFFC0, v4  }
0x25: {  	v3 =	vor.u32 v3, v4  }
0x26: {  	v4 =	vperm.xlane v3, v0;
	_ =	sdelay $0x1  }
0x27: {  	v4 =	vadd.s32 v1, v4;
	_ =	sdelay $0x4  }
0x28: {  	[tilespmem:s10], [sflag:$0x1] =	stream.indirect_vreg.gather [hbm4b:s3+s2], $0x80, v4, vm0, $0xb8;
	[tilespmem:$0x10080] =	vst v63  }
0x29: {  	s7 =	rddreg [dreg:$0x3];
	v3 =	vperm.xlane v3, v2  }
0x2a: {  	[tilespmem:s7], [sflag:$0x1] =	stream.indirect_vreg.gather [hbm4b:s4+s2], $0x80, v4, vm0, $0xb8;
	[tilespmem:$0x10080] =	vst v63  }
0x2b: {  	s1 =	rddreg [dreg:$0x4];
	v3 =	vadd.s32 v1, v3  }
0x2c: {  	[tilespmem:s1], [sflag:$0x1] =	stream.indirect_vreg.gather [hbm4b:s5+s2], $0x80, v4, vm0, $0xb8;
	[tilespmem:$0x10080] =	vst v63  }
0x2d: {  	s7 =	rddreg [dreg:$0x5]  }
0x2e: {  	[tilespmem:s7], [sflag:$0x1] =	stream.indirect_vreg.gather [hbm4b:s6+s2], $0x80, v4, vm0, $0xb8;
	[tilespmem:$0x10080] =	vst v63  }
0x2f: {  	s1 =	rddreg [dreg:$0x6]  }
0x30: {  	[tilespmem:s1], [sflag:$0x1] =	stream.indirect_vreg.gather [hbm4b:s3+s2], $0x80, v3, vm0, $0xb8;
	[tilespmem:$0x10080] =	vst v63  }
0x31: {  	s7 =	rddreg [dreg:$0x7]  }
0x32: {  	[tilespmem:s7], [sflag:$0x1] =	stream.indirect_vreg.gather [hbm4b:s4+s2], $0x80, v3, vm0, $0xb8;
	[tilespmem:$0x10080] =	vst v63  }
0x33: {  	s1 =	rddreg [dreg:$0x8]  }
0x34: {  	[tilespmem:s1], [sflag:$0x1] =	stream.indirect_vreg.gather [hbm4b:s5+s2], $0x80, v3, vm0, $0xb8;
	[tilespmem:$0x10080] =	vst v63  }
0x35: {  	s7 =	rddreg [dreg:$0x9]  }
0x36: {  	[tilespmem:s7], [sflag:$0x1] =	stream.indirect_vreg.gather [hbm4b:s6+s2], $0x80, v3, vm0, $0xb8;
	[tilespmem:$0x10080] =	vst v63  }
0x37: {  	v3 =	vld [tilespmem:$0x10];
	_ =	sdelay $0x4  }
0x38: {  	v61 =	vshll.u32 v3, $0x3  }
0x39: {  	v3 =	vand.u32 $0x7, v3;
	v4 =	vand.u32 $0xFFFFFFC0, v61  }
0x3a: {  	v3 =	vor.u32 v3, v4  }
0x3b: {  	v4 =	vperm.xlane v3, v0;
	_ =	sdelay $0x1  }
0x3c: {  	v4 =	vadd.s32 v1, v4;
	_ =	sdelay $0x3  }
0x3d: {  	s1 =	rddreg [dreg:$0xa]  }
0x3e: {  	[tilespmem:s1], [sflag:$0x1] =	stream.indirect_vreg.gather [hbm4b:s3+s2], $0x80, v4, vm0, $0xb8;
	[tilespmem:$0x10080] =	vst v63  }
0x3f: {  	s7 =	rddreg [dreg:$0xb];
	v3 =	vperm.xlane v3, v2  }
0x40: {  	[tilespmem:s7], [sflag:$0x1] =	stream.indirect_vreg.gather [hbm4b:s4+s2], $0x80, v4, vm0, $0xb8;
	[tilespmem:$0x10080] =	vst v63  }
0x41: {  	v3 =	vadd.s32 v1, v3;
	s1 =	rddreg [dreg:$0xc]  }
0x42: {  	[tilespmem:s1], [sflag:$0x1] =	stream.indirect_vreg.gather [hbm4b:s5+s2], $0x80, v4, vm0, $0xb8;
	[tilespmem:$0x10080] =	vst v63  }
0x43: {  	s7 =	rddreg [dreg:$0xd]  }
0x44: {  	[tilespmem:s7], [sflag:$0x1] =	stream.indirect_vreg.gather [hbm4b:s6+s2], $0x80, v4, vm0, $0xb8;
	[tilespmem:$0x10080] =	vst v63  }
0x45: {  	s1 =	rddreg [dreg:$0xe]  }
0x46: {  	[tilespmem:s1], [sflag:$0x1] =	stream.indirect_vreg.gather [hbm4b:s3+s2], $0x80, v3, vm0, $0xb8;
	[tilespmem:$0x10080] =	vst v63  }
0x47: {  	s7 =	rddreg [dreg:$0xf]  }
0x48: {  	[tilespmem:s7], [sflag:$0x1] =	stream.indirect_vreg.gather [hbm4b:s4+s2], $0x80, v3, vm0, $0xb8;
	[tilespmem:$0x10080] =	vst v63  }
0x49: {  	_ = 	snop  }
0x4a: {  	[tilespmem:s11], [sflag:$0x1] =	stream.indirect_vreg.gather [hbm4b:s5+s2], $0x80, v3, vm0, $0xb8;
	[tilespmem:$0x10080] =	vst v63  }
0x4b: {  	_ = 	snop  }
0x4c: {  	[tilespmem:s12], [sflag:$0x1] =	stream.indirect_vreg.gather [hbm4b:s6+s2], $0x80, v3, vm0, $0xb8;
	[tilespmem:$0x10080] =	vst v63  }
0x4d: {  	v3 =	vld [tilespmem:$0x20];
	_ =	sdelay $0x4  }
0x4e: {  	v62 =	vshll.u32 v3, $0x3  }
0x4f: {  	v3 =	vand.u32 $0x7, v3;
	v4 =	vand.u32 $0xFFFFFFC0, v62  }
0x50: {  	v3 =	vor.u32 v3, v4  }
0x51: {  	v4 =	vperm.xlane v3, v0;
	_ =	sdelay $0x1  }
0x52: {  	v4 =	vadd.s32 v1, v4;
	_ =	sdelay $0x4  }
0x53: {  	[tilespmem:s13], [sflag:$0x1] =	stream.indirect_vreg.gather [hbm4b:s3+s2], $0x80, v4, vm0, $0xb8;
	[tilespmem:$0x10080] =	vst v63  }
0x54: {  	v3 =	vperm.xlane v3, v2  }
0x55: {  	[tilespmem:s14], [sflag:$0x1] =	stream.indirect_vreg.gather [hbm4b:s4+s2], $0x80, v4, vm0, $0xb8;
	[tilespmem:$0x10080] =	vst v63  }
0x56: {  	v3 =	vadd.s32 v1, v3  }
0x57: {  	[tilespmem:s15], [sflag:$0x1] =	stream.indirect_vreg.gather [hbm4b:s5+s2], $0x80, v4, vm0, $0xb8;
	[tilespmem:$0x10080] =	vst v63  }
0x58: {  	_ = 	snop  }
0x59: {  	[tilespmem:s16], [sflag:$0x1] =	stream.indirect_vreg.gather [hbm4b:s6+s2], $0x80, v4, vm0, $0xb8;
	[tilespmem:$0x10080] =	vst v63  }
0x5a: {  	_ = 	snop  }
0x5b: {  	[tilespmem:s17], [sflag:$0x1] =	stream.indirect_vreg.gather [hbm4b:s3+s2], $0x80, v3, vm0, $0xb8;
	[tilespmem:$0x10080] =	vst v63  }
0x5c: {  	_ = 	snop  }
0x5d: {  	[tilespmem:s18], [sflag:$0x1] =	stream.indirect_vreg.gather [hbm4b:s4+s2], $0x80, v3, vm0, $0xb8;
	[tilespmem:$0x10080] =	vst v63  }
0x5e: {  	_ = 	snop  }
0x5f: {  	[tilespmem:s19], [sflag:$0x1] =	stream.indirect_vreg.gather [hbm4b:s5+s2], $0x80, v3, vm0, $0xb8;
	[tilespmem:$0x10080] =	vst v63  }
0x60: {  	_ = 	snop  }
0x61: {  	[tilespmem:s20], [sflag:$0x1] =	stream.indirect_vreg.gather [hbm4b:s6+s2], $0x80, v3, vm0, $0xb8;
	[tilespmem:$0x10080] =	vst v63  }
0x62: {  	v3 =	vld [tilespmem:$0x30];
	_ =	sdelay $0x4  }
0x63: {  	v63 =	vshll.u32 v3, $0x3  }
0x64: {  	v3 =	vand.u32 $0x7, v3;
	v4 =	vand.u32 $0xFFFFFFC0, v63  }
0x65: {  	v3 =	vor.u32 v3, v4  }
0x66: {  	v4 =	vperm.xlane v3, v0;
	_ =	sdelay $0x1  }
0x67: {  	v4 =	vadd.s32 v1, v4;
	_ =	sdelay $0x4  }
0x68: {  	[tilespmem:s21], [sflag:$0x1] =	stream.indirect_vreg.gather [hbm4b:s3+s2], $0x80, v4, vm0, $0xb8;
	[tilespmem:$0x10080] =	vst v63  }
0x69: {  	v3 =	vperm.xlane v3, v2  }
0x6a: {  	[tilespmem:s22], [sflag:$0x1] =	stream.indirect_vreg.gather [hbm4b:s4+s2], $0x80, v4, vm0, $0xb8;
	[tilespmem:$0x10080] =	vst v63  }
0x6b: {  	v3 =	vadd.s32 v1, v3  }
0x6c: {  	[tilespmem:s23], [sflag:$0x1] =	stream.indirect_vreg.gather [hbm4b:s5+s2], $0x80, v4, vm0, $0xb8;
	[tilespmem:$0x10080] =	vst v63  }
0x6d: {  	_ = 	snop  }
0x6e: {  	[tilespmem:s24], [sflag:$0x1] =	stream.indirect_vreg.gather [hbm4b:s6+s2], $0x80, v4, vm0, $0xb8;
	[tilespmem:$0x10080] =	vst v63  }
0x6f: {  	_ = 	snop  }
0x70: {  	[tilespmem:s25], [sflag:$0x1] =	stream.indirect_vreg.gather [hbm4b:s3+s2], $0x80, v3, vm0, $0xb8;
	[tilespmem:$0x10080] =	vst v63  }
0x71: {  	_ = 	snop  }
0x72: {  	[tilespmem:s26], [sflag:$0x1] =	stream.indirect_vreg.gather [hbm4b:s4+s2], $0x80, v3, vm0, $0xb8;
	[tilespmem:$0x10080] =	vst v63  }
0x73: {  	_ = 	snop  }
0x74: {  	[tilespmem:s28], [sflag:$0x1] =	stream.indirect_vreg.gather [hbm4b:s5+s2], $0x80, v3, vm0, $0xb8;
	[tilespmem:$0x10080] =	vst v63  }
0x75: {  	_ = 	snop  }
0x76: {  	[tilespmem:s29], [sflag:$0x1] =	stream.indirect_vreg.gather [hbm4b:s6+s2], $0x80, v3, vm0, $0xb8;
	[tilespmem:$0x10080] =	vst v63  }
0x77: {  	_ =	swait.ge [sflag:s30], $0x10000  }
0x78: {  	p0 =	sne.s32 s0, $0x18;
	[sflag:s30] =	ssyncset.done $0x0  }
.Ltmp0:
0x79: {  	[sflag:s30] =	ssyncadd.s32 $0xFFFF0000;
	(pc) =	sbr.rel @p0 .LBB2_2-.Ltmp0, $4  }
0x7a: {  	[hbm4b:s8+s2] =	stream.linear.scatter [tilespmem:s10], [sflag:$0x2], $0x10000, $0x38;
	[tilespmem:$0x10080] =	vst v63  }
0x7b: {  	_ =	swait.ge [sflag:s9], $0x10000  }
0x7c: {  	[sflag:s9] =	ssyncset.done $0x0  }
0x7d: {  	s0 =	sadd.s32 $0x8, s0;
	s8 =	sadd.s32 $0x2000, s8;
	[sflag:s9] =	ssyncadd.s32 $0xFFFF0000  }
0x7e: {  	s31 =	sadd.s32 $0x1, s31;
	s0 =	rddreg [dreg:$0x10]  }
0x7f: {  	p0 =	sne.s32 s31, s0  }
.Ltmp1:
0x80: {  	_ = 	snop;
	(pc) =	sbr.rel @p0 .LBB2_1-.Ltmp1, $1  }
0x81: {  	_ =	sdelay $0x3  }
0x82: {  	_ =	sfence.sel $0x180000  }
0x83: {  	[bflag:$0x0] =	sbarrier.arrive $0xFFFF  }
0x84: {  	_ =	strace $0x9000004A  }
0x85: {  	s0 =	stileid.u32;
	[bflag:$0x2] =	sbarrier.arrive $0xFFFF  }
0x86: {  	p0 =	sne.s32 s0, $0x0;
	s0 =	rddreg [dreg:$0x1]  }
0x87: {  	s0 =	sadd.s32 @!p0 $0x100000, s0  }
0x88: {  	[sflag:s0] =	ssyncadd.tile.s32 @!p0 $0x1;
	_ =	shalt  }
.Lfunc_end2:
_tile_overlayer_lowered:
.L_overlay_start_2:
0x89: {  	(tag) =	ssettag $0x2  }
0x8a: {  	s0 =	rddreg [dreg:$0x0];
	s2 =	stileid.u32  }
0x8b: {  	s1 =	rddreg [dreg:$0x1];
	p0 =	sne.s32 s2, $0x0  }
0x8c: {  	s3 =	rddreg [dreg:$0x2];
	[bflag:$0x3] =	sbarrier.arrive $0xFFFF;
	s2 =	simm.s32 @!p0 $0x1C02  }
0x8d: {  	[timem:s3], [sflag:s2] =	dma.local @!p0 [hbm:s0], s1  }
0x8e: {  	s0 =	simm.s32 @!p0 $0x2  }
0x8f: {  	_ =	swait.ge @!p0 [sflag:s0], s1  }
0x90: {  	s1 =	ssub.s32 @!p0 $0x0, s1;
	[sflag:s0] =	ssyncset.done @!p0 $0x0  }
0x91: {  	[sflag:s0] =	ssyncadd.s32 @!p0 s1  }
0x92: {  	[bflag:$0x3] =	sbarrier.arrive $0xFFFF  }
0x93: {  	_ =	shalt  }

</sc_bundles>
